<compile_context>
chip_gen: v7x
topology: tpu7x:2x2x1
jax: 0.10.2.dev20260603
libtpu: 0.0.44.dev20260713+nightly
codegen_flags: <defaults>
</compile_context>

<pallas_src>
import functools

import jax
import jax.numpy as jnp
import numpy as np
from jax import lax
from jax.experimental import pallas as pl
from jax.experimental.pallas import tpu as pltpu
from jax.experimental.pallas import tpu_sc as plsc
from jax._src import config as _jax_config

N_NODES = 10000
N_EDGES = 320000
HIDDEN = 128
N_ITEMS = 100000
N_SESSIONS = 32

NC = 2
NS = 16
NW = NC * NS

NODE_PAD = 10240
GCH = 40
ECH = 128
NBUF = 2
EPW = N_EDGES // NW
ETAIL = EPW % ECH
ACC_ROWS = N_NODES
ROWS_PER_SUB = 624

BN = 400
BV = 2048

_f32 = jnp.float32


def _sc_embedding_gather(emb_weight, x_pad):
    with _jax_config.enable_x64(False):
        return _sc_embedding_gather_x32(emb_weight, x_pad)


def _sc_embedding_gather_x32(emb_weight, x2d):
    mesh = plsc.VectorSubcoreMesh(core_axis_name="c", subcore_axis_name="s")
    npw = NODE_PAD // NW
    nch = npw // GCH

    @functools.partial(
        pl.kernel,
        out_type=jax.ShapeDtypeStruct((NODE_PAD, HIDDEN), _f32),
        mesh=mesh,
        scratch_types=[
            pltpu.VMEM((nch, GCH), jnp.int32),
            pltpu.VMEM((npw, HIDDEN), _f32),
            pltpu.SemaphoreType.DMA,
        ],
    )
    def k(emb_hbm, idx_hbm, out_hbm, idx_v, rows_v, sem):
        wid = lax.axis_index("s") * jnp.int32(NC) + lax.axis_index("c")
        pltpu.sync_copy(idx_hbm.at[pl.ds(wid * jnp.int32(nch), nch)], idx_v)
        for j in range(nch):
            pltpu.async_copy(emb_hbm.at[idx_v.at[jnp.int32(j)]],
                             rows_v.at[pl.ds(jnp.int32(j * GCH), GCH)], sem)
        for j in range(nch):
            pltpu.make_async_copy(emb_hbm.at[pl.ds(jnp.int32(0), GCH)],
                                  rows_v.at[pl.ds(jnp.int32(0), GCH)], sem).wait()
        pltpu.sync_copy(rows_v, out_hbm.at[pl.ds(wid * jnp.int32(npw), npw)])

    return k(emb_weight, x2d)


def _sc_edge_scatter(emb, src, dst, zeros):
    with _jax_config.enable_x64(False):
        return _sc_edge_scatter_x32(emb, src, dst, zeros)


def _sc_edge_scatter_x32(emb, src2d, dst2d, zeros):
    mesh = plsc.VectorSubcoreMesh(core_axis_name="c", subcore_axis_name="s")
    nch = EPW // ECH
    nmain = nch - (nch % NBUF)

    @functools.partial(
        pl.kernel,
        out_type=jax.ShapeDtypeStruct((NC * N_NODES, HIDDEN), _f32),
        mesh=mesh,
        scratch_types=(
            [pltpu.VMEM((ECH,), jnp.int32)] * (2 * NBUF)
            + [pltpu.VMEM((ETAIL,), jnp.int32)] * 2
            + [pltpu.VMEM((ECH, HIDDEN), _f32)] * NBUF
            + [pltpu.VMEM_SHARED((ACC_ROWS, HIDDEN), _f32)]
            + [pltpu.SemaphoreType.DMA] * NBUF
        ),
    )
    def k(emb_hbm, src_hbm, dst_hbm, zeros_hbm, m_hbm,
          src_v0, src_v1, dst_v0, dst_v1, src_t, dst_t,
          rows0, rows1, acc, sem0, sem1):
        cid = lax.axis_index("c")
        sid = lax.axis_index("s")
        wid = sid * jnp.int32(NC) + cid
        off = sid * jnp.int32(ROWS_PER_SUB)
        srcs = (src_v0, src_v1)
        dsts = (dst_v0, dst_v1)
        rows = (rows0, rows1)
        sems = (sem0, sem1)

        pltpu.sync_copy(zeros_hbm.at[pl.ds(0, ROWS_PER_SUB)],
                        acc.at[pl.ds(off, ROWS_PER_SUB)])

        @pl.when(sid == jnp.int32(NS - 1))
        def _():
            pltpu.sync_copy(zeros_hbm.at[pl.ds(ROWS_PER_SUB, 16)],
                            acc.at[pl.ds(NS * ROWS_PER_SUB, 16)])

        plsc.subcore_barrier()

        def stage_and_gather(ch, b):
            base = wid * jnp.int32(EPW) + ch * jnp.int32(ECH)
            pltpu.sync_copy(src_hbm.at[pl.ds(base, ECH)], srcs[b])
            pltpu.sync_copy(dst_hbm.at[pl.ds(base, ECH)], dsts[b])
            pltpu.async_copy(emb_hbm.at[srcs[b]], rows[b], sems[b])

        def wait_gather(b):
            pltpu.make_async_copy(emb_hbm.at[pl.ds(jnp.int32(0), ECH)],
                                  rows[b], sems[b]).wait()

        for b in range(NBUF):
            stage_and_gather(jnp.int32(b), b)

        @pl.loop(np.int32(0), np.int32(nmain), step=np.int32(NBUF))
        def _(g):
            for b in range(NBUF):
                ch = g + jnp.int32(b)
                wait_gather(b)
                pltpu.sync_copy(rows[b], acc.at[dsts[b]], add=True)
                nxt = ch + jnp.int32(NBUF)

                @pl.when(nxt < jnp.int32(nch))
                def _():
                    stage_and_gather(nxt, b)

        tbase = wid * jnp.int32(EPW) + jnp.int32(nch * ECH)
        pltpu.sync_copy(src_hbm.at[pl.ds(tbase, ETAIL)], src_t)
        pltpu.sync_copy(dst_hbm.at[pl.ds(tbase, ETAIL)], dst_t)
        for b in range(nch - nmain):
            wait_gather(b)
            pltpu.sync_copy(rows[b], acc.at[dsts[b]], add=True)
        pltpu.async_copy(emb_hbm.at[src_t],
                         rows0.at[pl.ds(jnp.int32(0), ETAIL)], sem0).wait()
        pltpu.sync_copy(rows0.at[pl.ds(jnp.int32(0), ETAIL)],
                        acc.at[dst_t], add=True)
        plsc.subcore_barrier()

        obase = cid * jnp.int32(N_NODES)
        pltpu.sync_copy(acc.at[pl.ds(off, ROWS_PER_SUB)],
                        m_hbm.at[pl.ds(obase + off, ROWS_PER_SUB)])

        @pl.when(sid == jnp.int32(NS - 1))
        def _():
            pltpu.sync_copy(acc.at[pl.ds(NS * ROWS_PER_SUB, 16)],
                            m_hbm.at[pl.ds(obase + jnp.int32(NS * ROWS_PER_SUB), 16)])

    return k(emb, src2d, dst2d, zeros)


def _dotT(a, b):
    return lax.dot_general(a, b, (((1,), (1,)), ((), ())),
                           preferred_element_type=_f32)


def _node_body(ma_ref, mb_ref, emb_ref, wih_ref, whh_ref,
               batch_ref, bnext_ref, b0_ref, w1_ref, w2_ref, b2_ref,
               qw_ref, qb_ref, vn_ref, sg_ref, vi_s):
    p = pl.program_id(0)
    i = pl.program_id(1)
    b = batch_ref[...]
    sess = lax.broadcasted_iota(jnp.int32, (BN, N_SESSIONS), 1)

    @pl.when(p == 0)
    def _():
        m = ma_ref[...] + mb_ref[...]
        h = emb_ref[...]
        gi = _dotT(m, wih_ref[...])
        gh = _dotT(h, whh_ref[...])
        r = jax.nn.sigmoid(gi[:, :HIDDEN] + gh[:, :HIDDEN])
        z = jax.nn.sigmoid(gi[:, HIDDEN:2 * HIDDEN] + gh[:, HIDDEN:2 * HIDDEN])
        n = jnp.tanh(gi[:, 2 * HIDDEN:] + r * gh[:, 2 * HIDDEN:])
        v = (1.0 - z) * n + z * h
        vi_s[pl.ds(i * BN, BN), :] = v

        bn = bnext_ref[...]
        b0 = b0_ref[...]
        last = (b <= sess) & (bn > sess)
        i_glob = i * BN + lax.broadcasted_iota(jnp.int32, (BN, N_SESSIONS), 0)
        wrap = (i_glob == N_NODES - 1) & (sess < b0)
        onehot_last = (last | wrap).astype(_f32)
        contrib = lax.dot_general(onehot_last, v, (((0,), (0,)), ((), ())),
                                  preferred_element_type=_f32)

        @pl.when(i == 0)
        def _():
            vn_ref[...] = jnp.zeros_like(vn_ref)

        vn_ref[...] += contrib

    @pl.when(p == 1)
    def _():
        v = vi_s[pl.ds(i * BN, BN), :]
        onehot = (b == sess).astype(_f32)
        vn_rep = lax.dot_general(onehot, vn_ref[...], (((1,), (0,)), ((), ())),
                                 preferred_element_type=_f32)
        q1 = _dotT(vn_rep, w1_ref[...])
        q2 = _dotT(v, w2_ref[...]) + b2_ref[...]
        a = jax.nn.sigmoid(q1 + q2)
        alpha = jnp.sum(a * qw_ref[...], axis=1, keepdims=True) + qb_ref[0, 0]
        contrib = lax.dot_general(onehot, alpha * v, (((0,), (0,)), ((), ())),
                                  preferred_element_type=_f32)

        @pl.when(i == 0)
        def _():
            sg_ref[...] = jnp.zeros_like(sg_ref)

        sg_ref[...] += contrib


def _tc_node(ma, mb, emb, w_ih, w_hh, batch2, bnext2, b00, w1, w2, b2r, qwr, qbr):
    with _jax_config.enable_x64(False):
        return _tc_node_x32(ma, mb, emb, w_ih, w_hh, batch2, bnext2, b00,
                            w1, w2, b2r, qwr, qbr)


def _tc_node_x32(ma, mb, emb, w_ih, w_hh, batch2, bnext2, b00, w1, w2, b2r,
                 qwr, qbr):
    grid = (2, N_NODES // BN)
    blk0 = pl.BlockSpec((BN, HIDDEN), lambda p, i: (i * (1 - p), 0))
    blk1 = pl.BlockSpec((BN, HIDDEN),
                        lambda p, i: (i * (1 - p) + N_NODES // BN, 0))
    full = lambda r, c: pl.BlockSpec((r, c), lambda p, i: (0, 0))
    sess_spec = pl.BlockSpec((N_SESSIONS, HIDDEN), lambda p, i: (0, 0))
    return pl.pallas_call(
        _node_body,
        grid=grid,
        in_specs=[
            blk0, blk1, blk0,
            full(3 * HIDDEN, HIDDEN), full(3 * HIDDEN, HIDDEN),
            pl.BlockSpec((BN, 1), lambda p, i: (i, 0)),
            pl.BlockSpec((BN, 1), lambda p, i: (i * (1 - p), 0)),
            full(1, 1),
            full(HIDDEN, HIDDEN), full(HIDDEN, HIDDEN),
            full(1, HIDDEN), full(1, HIDDEN), full(1, 1),
        ],
        out_specs=[sess_spec, sess_spec],
        out_shape=[
            jax.ShapeDtypeStruct((N_SESSIONS, HIDDEN), _f32),
            jax.ShapeDtypeStruct((N_SESSIONS, HIDDEN), _f32),
        ],
        scratch_shapes=[pltpu.VMEM((N_NODES, HIDDEN), _f32)],
    )(ma, mb, emb, w_ih, w_hh, batch2, bnext2, b00, w1, w2, b2r, qwr, qbr)


def _vocab_body(vn_ref, sg_ref, w3_ref, wc_ref, wt_ref, wo_ref,
                emb_ref, z1_ref, z2_ref, z3_ref, xs_ref):
    @pl.when(pl.program_id(0) == 0)
    def _():
        sh = (_dotT(vn_ref[...], w3_ref[:, :HIDDEN])
              + _dotT(sg_ref[...], w3_ref[:, HIDDEN:]))
        sig = jax.nn.sigmoid(sh)
        xs_ref[:N_SESSIONS, :] = _dotT(sig, wc_ref[...])
        xs_ref[N_SESSIONS:2 * N_SESSIONS, :] = _dotT(sig, wt_ref[...])
        xs_ref[2 * N_SESSIONS:, :] = _dotT(sig, wo_ref[...])

    zz = _dotT(xs_ref[...], emb_ref[...])
    z1_ref[...] = zz[:N_SESSIONS]
    z2_ref[...] = zz[N_SESSIONS:2 * N_SESSIONS]
    z3_ref[...] = zz[2 * N_SESSIONS:]


def _tc_vocab(vn, sg, w3, wc, wt, wo, emb_weight):
    with _jax_config.enable_x64(False):
        return _tc_vocab_x32(vn, sg, w3, wc, wt, wo, emb_weight)


def _tc_vocab_x32(vn, sg, w3, wc, wt, wo, emb_weight):
    grid = (pl.cdiv(N_ITEMS, BV),)
    full = lambda r, c: pl.BlockSpec((r, c), lambda i: (0, 0))
    return pl.pallas_call(
        _vocab_body,
        grid=grid,
        in_specs=[
            full(N_SESSIONS, HIDDEN), full(N_SESSIONS, HIDDEN),
            full(HIDDEN, 2 * HIDDEN),
            full(HIDDEN, HIDDEN), full(HIDDEN, HIDDEN), full(HIDDEN, HIDDEN),
            pl.BlockSpec((BV, HIDDEN), lambda i: (i, 0)),
        ],
        out_specs=[pl.BlockSpec((N_SESSIONS, BV), lambda i: (0, i))] * 3,
        out_shape=[jax.ShapeDtypeStruct((N_SESSIONS, N_ITEMS), _f32)] * 3,
        scratch_shapes=[pltpu.VMEM((3 * N_SESSIONS, HIDDEN), _f32)],
    )(vn, sg, w3, wc, wt, wo, emb_weight)


def kernel(x, edge_index, batch, emb_weight, gru_w_ih, gru_w_hh, w1, w2, b2,
           q_w, q_b, w3, w_clicks, w_carts, w_orders):
    x32 = x.astype(jnp.int32)
    src = edge_index[0].astype(jnp.int32)
    dst = edge_index[1].astype(jnp.int32)
    batch32 = batch.astype(jnp.int32)

    x2d = jnp.pad(x32, (0, NODE_PAD - N_NODES)).reshape(NODE_PAD // GCH, GCH)
    emb_pad = _sc_embedding_gather(emb_weight, x2d)

    zeros = jnp.zeros((ROWS_PER_SUB + 16, HIDDEN), _f32)
    m_part = _sc_edge_scatter(emb_pad, src, dst, zeros)

    batch2 = batch32.reshape(N_NODES, 1)
    bnext2 = jnp.concatenate(
        [batch32[1:], jnp.full((1,), N_SESSIONS, jnp.int32)]).reshape(N_NODES, 1)
    b00 = batch32[:1].reshape(1, 1)

    vn, sg = _tc_node(m_part, m_part, emb_pad,
                      gru_w_ih, gru_w_hh, batch2, bnext2, b00,
                      w1, w2, b2.reshape(1, HIDDEN), q_w.reshape(1, HIDDEN),
                      q_b.reshape(1, 1))

    z1, z2, z3 = _tc_vocab(vn, sg, w3, w_clicks, w_carts, w_orders, emb_weight)
    return (z1, z2, z3)

# --- scband reference (transcript-rebuilt; emitter-appended) ---
"""Pipeline reference for scband-srgnn-49898930045082 (READ-ONLY COPY).

The authoritative reference and input builder live on the scoring server;
editing this copy changes nothing except your own understanding.
"""

import jax, jax.numpy as jnp
import numpy as np
jax.config.update("jax_enable_x64", True)

N_NODES = 10000
N_EDGES = 320000
HIDDEN = 128
N_ITEMS = 100000
N_SESSIONS = 32


def setup_inputs(seed: int = 0) -> dict:
    key = jax.random.key(seed)
    ks = jax.random.split(key, 16)
    stdv = 1.0 / np.sqrt(HIDDEN)
    def u(k, shape):
        return jax.random.uniform(k, shape, dtype=jnp.float32, minval=-stdv, maxval=stdv)
    inp = {
        "x": jax.random.randint(ks[0], (N_NODES,), 0, N_ITEMS, dtype=jnp.int64),
        "edge_index": jax.random.randint(ks[1], (2, N_EDGES), 0, N_NODES, dtype=jnp.int64),
        "batch": jnp.sort(jax.random.randint(ks[2], (N_NODES,), 0, N_SESSIONS, dtype=jnp.int64)),
        "emb_weight": u(ks[3], (N_ITEMS, HIDDEN)),
        "gru_w_ih": u(ks[4], (3 * HIDDEN, HIDDEN)),
        "gru_w_hh": u(ks[5], (3 * HIDDEN, HIDDEN)),
        "w1": u(ks[6], (HIDDEN, HIDDEN)),
        "w2": u(ks[7], (HIDDEN, HIDDEN)),
        "b2": u(ks[8], (HIDDEN,)),
        "q_w": u(ks[9], (1, HIDDEN)),
        "q_b": u(ks[10], (1,)),
        "w3": u(ks[11], (HIDDEN, 2 * HIDDEN)),
        "w_clicks": u(ks[12], (HIDDEN, HIDDEN)),
        "w_carts": u(ks[13], (HIDDEN, HIDDEN)),
        "w_orders": u(ks[14], (HIDDEN, HIDDEN)),
    }
    return inp


def _gru_cell(m, h, w_ih, w_hh):
    # torch.nn.GRUCell with bias=False
    gi = m @ w_ih.T
    gh = h @ w_hh.T
    i_r, i_z, i_n = jnp.split(gi, 3, axis=-1)
    h_r, h_z, h_n = jnp.split(gh, 3, axis=-1)
    r = jax.nn.sigmoid(i_r + h_r)
    z = jax.nn.sigmoid(i_z + h_z)
    n = jnp.tanh(i_n + r * h_n)
    return (1.0 - z) * n + z * h


def reference(x, edge_index, batch, emb_weight, gru_w_ih, gru_w_hh, w1, w2, b2, q_w, q_b, w3, w_clicks, w_carts, w_orders):
    # embedding lookup (w2v=False path), squeeze is a no-op for 1-D x
    embedding = jnp.take(emb_weight, x, axis=0)
    # GatedSessionGraphConv: propagate with aggr='add' -> scatter-add of x_j at dst
    src, dst = edge_index[0], edge_index[1]
    m = jax.ops.segment_sum(embedding[src], dst, num_segments=N_NODES)
    v_i = _gru_cell(m, embedding, gru_w_ih, gru_w_hh)
    # per-session sections / last-node extraction (batch is sorted)
    sections = jnp.bincount(batch, length=N_SESSIONS)
    last_idx = jnp.cumsum(sections) - 1
    v_n = v_i[last_idx]
    v_n_repeat = v_n[batch]
    q1 = v_n_repeat @ w1.T
    q2 = v_i @ w2.T + b2
    alpha = jax.nn.sigmoid(q1 + q2) @ q_w.T + q_b
    s_g = jax.ops.segment_sum(alpha * v_i, batch, num_segments=N_SESSIONS)
    s_l = v_n
    s_h = jnp.concatenate([s_l, s_g], axis=-1) @ w3.T
    x1 = jax.nn.sigmoid(s_h) @ w_clicks.T
    x2 = jax.nn.sigmoid(s_h) @ w_carts.T
    x3 = jax.nn.sigmoid(s_h) @ w_orders.T
    z1 = x1 @ emb_weight.T
    z2 = x2 @ emb_weight.T
    z3 = x3 @ emb_weight.T
    return (z1, z2, z3)

if __name__ == "__main__":
    import jax
    _d = setup_inputs()
    print(jax.jit(kernel)(*tuple(_d.values())))

</pallas_src>

<mosaic_0001>
#map = affine_map<(d0, d1) -> (0, 0)>
module attributes {stable_mosaic.version = 14 : i64} {
  func.func @k(%arg0: i32, %arg1: i32, %arg2: memref<100000x128xf32, #tpu.memory_space<hbm>>, %arg3: memref<256x40xi32, #tpu.memory_space<hbm>>, %arg4: memref<10240x128xf32, #tpu.memory_space<hbm>>, %arg5: memref<8x40xi32, #tpu.memory_space<vmem>>, %arg6: memref<320x128xf32, #tpu.memory_space<vmem>>, %arg7: memref<!tpu.dma_semaphore, #tpu.memory_space<semaphore_mem>>) attributes {dimension_semantics = [#tpu.dimension_semantics<core_parallel>, #tpu.dimension_semantics<subcore_parallel>], iteration_bounds = array<i64: 2, 16>, scalar_prefetch = 0 : i64, scratch_operands = 3 : i64, tpu.core_type = #tpu.core_type<sc_vector_subcore>, window_params = [{transform_indices = #map}, {transform_indices = #map}, {transform_indices = #map}]} {
    %mul3A = arith.constant 2 : i32
    %mul3A_0 = arith.muli %arg1, %mul3A : i32
    %add3A = arith.addi %mul3A_0, %arg0 : i32
    %mul3A_1 = arith.constant 8 : i32
    %mul3A_2 = arith.muli %add3A, %mul3A_1 : i32
    "tpu.region"() ({
      %run_scoped3A = tpu.sem_alloc : memref<!tpu.dma_semaphore, #tpu.memory_space<semaphore_mem>>
      %dma_start3A_163 = arith.constant 0 : i32
      %dma_start3A_164 = tpu.memref_slice %arg3[%mul3A_2, %dma_start3A_163] : memref<256x40xi32, #tpu.memory_space<hbm>> -> memref<8x40xi32, #tpu.memory_space<hbm>>
      %dma_start3A_165 = arith.constant 0 : i32
      %dma_start3A_166 = tpu.memref_slice %arg3[%mul3A_2, %dma_start3A_165] : memref<256x40xi32, #tpu.memory_space<hbm>> -> memref<8x40xi32, #tpu.memory_space<hbm>>
      tpu.enqueue_dma source(%dma_start3A_166 : memref<8x40xi32, #tpu.memory_space<hbm>>) target(%arg5 : memref<8x40xi32, #tpu.memory_space<vmem>>) target_semaphore(%run_scoped3A : memref<!tpu.dma_semaphore, #tpu.memory_space<semaphore_mem>>)
      %dma_wait3A_167 = arith.constant 0 : i32
      %dma_wait3A_168 = tpu.memref_slice %arg3[%mul3A_2, %dma_wait3A_167] : memref<256x40xi32, #tpu.memory_space<hbm>> -> memref<8x40xi32, #tpu.memory_space<hbm>>
      %dma_wait3A_169 = arith.constant 0 : i32
      %dma_wait3A_170 = tpu.memref_slice %arg3[%mul3A_2, %dma_wait3A_169] : memref<256x40xi32, #tpu.memory_space<hbm>> -> memref<8x40xi32, #tpu.memory_space<hbm>>
      tpu.wait_dma2 semaphore(%run_scoped3A : memref<!tpu.dma_semaphore, #tpu.memory_space<semaphore_mem>>) src(%dma_wait3A_170 : memref<8x40xi32, #tpu.memory_space<hbm>>) dst(%arg5 : memref<8x40xi32, #tpu.memory_space<vmem>>)
      tpu.yield
    }) : () -> ()
    %dma_start3A = arith.constant 0 : i32
    %dma_start3A_3 = arith.constant 0 : i32
    %dma_start3A_4 = arith.constant 0 : i32
    %dma_start3A_5 = tpu.memref_slice %arg6[%dma_start3A_3, %dma_start3A_4] : memref<320x128xf32, #tpu.memory_space<vmem>> -> memref<40x128xf32, #tpu.memory_space<vmem>>
    %dma_start3A_6 = arith.constant 0 : i32
    %dma_start3A_7 = tpu.memref_slice %arg5[%dma_start3A, %dma_start3A_6] : memref<8x40xi32, #tpu.memory_space<vmem>> -> memref<1x40xi32, #tpu.memory_space<vmem>>
    %dma_start3A_8 = tpu.memref_squeeze %dma_start3A_7 : memref<1x40xi32, #tpu.memory_space<vmem>> -> memref<40xi32, #tpu.memory_space<vmem>>
    %dma_start3A_9 = arith.constant 0 : i32
    %dma_start3A_10 = arith.constant 0 : i32
    %dma_start3A_11 = tpu.memref_slice %arg2[%dma_start3A_9, %dma_start3A_10] : memref<100000x128xf32, #tpu.memory_space<hbm>> -> memref<100000x128xf32, #tpu.memory_space<hbm>>
    tpu.enqueue_indirect_dma source(%dma_start3A_11 : memref<100000x128xf32, #tpu.memory_space<hbm>>) target(%dma_start3A_5 : memref<40x128xf32, #tpu.memory_space<vmem>>) offsets(%dma_start3A_8 : memref<40xi32, #tpu.memory_space<vmem>>) semaphore(%arg7 : memref<!tpu.dma_semaphore, #tpu.memory_space<semaphore_mem>>)
    %dma_start3A_12 = arith.constant 1 : i32
    %dma_start3A_13 = arith.constant 40 : i32
    %dma_start3A_14 = arith.constant 0 : i32
    %dma_start3A_15 = tpu.memref_slice %arg6[%dma_start3A_13, %dma_start3A_14] : memref<320x128xf32, #tpu.memory_space<vmem>> -> memref<40x128xf32, #tpu.memory_space<vmem>>
    %dma_start3A_16 = arith.constant 0 : i32
    %dma_start3A_17 = tpu.memref_slice %arg5[%dma_start3A_12, %dma_start3A_16] : memref<8x40xi32, #tpu.memory_space<vmem>> -> memref<1x40xi32, #tpu.memory_space<vmem>>
    %dma_start3A_18 = tpu.memref_squeeze %dma_start3A_17 : memref<1x40xi32, #tpu.memory_space<vmem>> -> memref<40xi32, #tpu.memory_space<vmem>>
    %dma_start3A_19 = arith.constant 0 : i32
    %dma_start3A_20 = arith.constant 0 : i32
    %dma_start3A_21 = tpu.memref_slice %arg2[%dma_start3A_19, %dma_start3A_20] : memref<100000x128xf32, #tpu.memory_space<hbm>> -> memref<100000x128xf32, #tpu.memory_space<hbm>>
    tpu.enqueue_indirect_dma source(%dma_start3A_21 : memref<100000x128xf32, #tpu.memory_space<hbm>>) target(%dma_start3A_15 : memref<40x128xf32, #tpu.memory_space<vmem>>) offsets(%dma_start3A_18 : memref<40xi32, #tpu.memory_space<vmem>>) semaphore(%arg7 : memref<!tpu.dma_semaphore, #tpu.memory_space<semaphore_mem>>)
    %dma_start3A_22 = arith.constant 2 : i32
    %dma_start3A_23 = arith.constant 80 : i32
    %dma_start3A_24 = arith.constant 0 : i32
    %dma_start3A_25 = tpu.memref_slice %arg6[%dma_start3A_23, %dma_start3A_24] : memref<320x128xf32, #tpu.memory_space<vmem>> -> memref<40x128xf32, #tpu.memory_space<vmem>>
    %dma_start3A_26 = arith.constant 0 : i32
    %dma_start3A_27 = tpu.memref_slice %arg5[%dma_start3A_22, %dma_start3A_26] : memref<8x40xi32, #tpu.memory_space<vmem>> -> memref<1x40xi32, #tpu.memory_space<vmem>>
    %dma_start3A_28 = tpu.memref_squeeze %dma_start3A_27 : memref<1x40xi32, #tpu.memory_space<vmem>> -> memref<40xi32, #tpu.memory_space<vmem>>
    %dma_start3A_29 = arith.constant 0 : i32
    %dma_start3A_30 = arith.constant 0 : i32
    %dma_start3A_31 = tpu.memref_slice %arg2[%dma_start3A_29, %dma_start3A_30] : memref<100000x128xf32, #tpu.memory_space<hbm>> -> memref<100000x128xf32, #tpu.memory_space<hbm>>
    tpu.enqueue_indirect_dma source(%dma_start3A_31 : memref<100000x128xf32, #tpu.memory_space<hbm>>) target(%dma_start3A_25 : memref<40x128xf32, #tpu.memory_space<vmem>>) offsets(%dma_start3A_28 : memref<40xi32, #tpu.memory_space<vmem>>) semaphore(%arg7 : memref<!tpu.dma_semaphore, #tpu.memory_space<semaphore_mem>>)
    %dma_start3A_32 = arith.constant 3 : i32
    %dma_start3A_33 = arith.constant 120 : i32
    %dma_start3A_34 = arith.constant 0 : i32
    %dma_start3A_35 = tpu.memref_slice %arg6[%dma_start3A_33, %dma_start3A_34] : memref<320x128xf32, #tpu.memory_space<vmem>> -> memref<40x128xf32, #tpu.memory_space<vmem>>
    %dma_start3A_36 = arith.constant 0 : i32
    %dma_start3A_37 = tpu.memref_slice %arg5[%dma_start3A_32, %dma_start3A_36] : memref<8x40xi32, #tpu.memory_space<vmem>> -> memref<1x40xi32, #tpu.memory_space<vmem>>
    %dma_start3A_38 = tpu.memref_squeeze %dma_start3A_37 : memref<1x40xi32, #tpu.memory_space<vmem>> -> memref<40xi32, #tpu.memory_space<vmem>>
    %dma_start3A_39 = arith.constant 0 : i32
    %dma_start3A_40 = arith.constant 0 : i32
    %dma_start3A_41 = tpu.memref_slice %arg2[%dma_start3A_39, %dma_start3A_40] : memref<100000x128xf32, #tpu.memory_space<hbm>> -> memref<100000x128xf32, #tpu.memory_space<hbm>>
    tpu.enqueue_indirect_dma source(%dma_start3A_41 : memref<100000x128xf32, #tpu.memory_space<hbm>>) target(%dma_start3A_35 : memref<40x128xf32, #tpu.memory_space<vmem>>) offsets(%dma_start3A_38 : memref<40xi32, #tpu.memory_space<vmem>>) semaphore(%arg7 : memref<!tpu.dma_semaphore, #tpu.memory_space<semaphore_mem>>)
    %dma_start3A_42 = arith.constant 4 : i32
    %dma_start3A_43 = arith.constant 160 : i32
    %dma_start3A_44 = arith.constant 0 : i32
    %dma_start3A_45 = tpu.memref_slice %arg6[%dma_start3A_43, %dma_start3A_44] : memref<320x128xf32, #tpu.memory_space<vmem>> -> memref<40x128xf32, #tpu.memory_space<vmem>>
    %dma_start3A_46 = arith.constant 0 : i32
    %dma_start3A_47 = tpu.memref_slice %arg5[%dma_start3A_42, %dma_start3A_46] : memref<8x40xi32, #tpu.memory_space<vmem>> -> memref<1x40xi32, #tpu.memory_space<vmem>>
    %dma_start3A_48 = tpu.memref_squeeze %dma_start3A_47 : memref<1x40xi32, #tpu.memory_space<vmem>> -> memref<40xi32, #tpu.memory_space<vmem>>
    %dma_start3A_49 = arith.constant 0 : i32
    %dma_start3A_50 = arith.constant 0 : i32
    %dma_start3A_51 = tpu.memref_slice %arg2[%dma_start3A_49, %dma_start3A_50] : memref<100000x128xf32, #tpu.memory_space<hbm>> -> memref<100000x128xf32, #tpu.memory_space<hbm>>
    tpu.enqueue_indirect_dma source(%dma_start3A_51 : memref<100000x128xf32, #tpu.memory_space<hbm>>) target(%dma_start3A_45 : memref<40x128xf32, #tpu.memory_space<vmem>>) offsets(%dma_start3A_48 : memref<40xi32, #tpu.memory_space<vmem>>) semaphore(%arg7 : memref<!tpu.dma_semaphore, #tpu.memory_space<semaphore_mem>>)
    %dma_start3A_52 = arith.constant 5 : i32
    %dma_start3A_53 = arith.constant 200 : i32
    %dma_start3A_54 = arith.constant 0 : i32
    %dma_start3A_55 = tpu.memref_slice %arg6[%dma_start3A_53, %dma_start3A_54] : memref<320x128xf32, #tpu.memory_space<vmem>> -> memref<40x128xf32, #tpu.memory_space<vmem>>
    %dma_start3A_56 = arith.constant 0 : i32
    %dma_start3A_57 = tpu.memref_slice %arg5[%dma_start3A_52, %dma_start3A_56] : memref<8x40xi32, #tpu.memory_space<vmem>> -> memref<1x40xi32, #tpu.memory_space<vmem>>
    %dma_start3A_58 = tpu.memref_squeeze %dma_start3A_57 : memref<1x40xi32, #tpu.memory_space<vmem>> -> memref<40xi32, #tpu.memory_space<vmem>>
    %dma_start3A_59 = arith.constant 0 : i32
    %dma_start3A_60 = arith.constant 0 : i32
    %dma_start3A_61 = tpu.memref_slice %arg2[%dma_start3A_59, %dma_start3A_60] : memref<100000x128xf32, #tpu.memory_space<hbm>> -> memref<100000x128xf32, #tpu.memory_space<hbm>>
    tpu.enqueue_indirect_dma source(%dma_start3A_61 : memref<100000x128xf32, #tpu.memory_space<hbm>>) target(%dma_start3A_55 : memref<40x128xf32, #tpu.memory_space<vmem>>) offsets(%dma_start3A_58 : memref<40xi32, #tpu.memory_space<vmem>>) semaphore(%arg7 : memref<!tpu.dma_semaphore, #tpu.memory_space<semaphore_mem>>)
    %dma_start3A_62 = arith.constant 6 : i32
    %dma_start3A_63 = arith.constant 240 : i32
    %dma_start3A_64 = arith.constant 0 : i32
    %dma_start3A_65 = tpu.memref_slice %arg6[%dma_start3A_63, %dma_start3A_64] : memref<320x128xf32, #tpu.memory_space<vmem>> -> memref<40x128xf32, #tpu.memory_space<vmem>>
    %dma_start3A_66 = arith.constant 0 : i32
    %dma_start3A_67 = tpu.memref_slice %arg5[%dma_start3A_62, %dma_start3A_66] : memref<8x40xi32, #tpu.memory_space<vmem>> -> memref<1x40xi32, #tpu.memory_space<vmem>>
    %dma_start3A_68 = tpu.memref_squeeze %dma_start3A_67 : memref<1x40xi32, #tpu.memory_space<vmem>> -> memref<40xi32, #tpu.memory_space<vmem>>
    %dma_start3A_69 = arith.constant 0 : i32
    %dma_start3A_70 = arith.constant 0 : i32
    %dma_start3A_71 = tpu.memref_slice %arg2[%dma_start3A_69, %dma_start3A_70] : memref<100000x128xf32, #tpu.memory_space<hbm>> -> memref<100000x128xf32, #tpu.memory_space<hbm>>
    tpu.enqueue_indirect_dma source(%dma_start3A_71 : memref<100000x128xf32, #tpu.memory_space<hbm>>) target(%dma_start3A_65 : memref<40x128xf32, #tpu.memory_space<vmem>>) offsets(%dma_start3A_68 : memref<40xi32, #tpu.memory_space<vmem>>) semaphore(%arg7 : memref<!tpu.dma_semaphore, #tpu.memory_space<semaphore_mem>>)
    %dma_start3A_72 = arith.constant 7 : i32
    %dma_start3A_73 = arith.constant 280 : i32
    %dma_start3A_74 = arith.constant 0 : i32
    %dma_start3A_75 = tpu.memref_slice %arg6[%dma_start3A_73, %dma_start3A_74] : memref<320x128xf32, #tpu.memory_space<vmem>> -> memref<40x128xf32, #tpu.memory_space<vmem>>
    %dma_start3A_76 = arith.constant 0 : i32
    %dma_start3A_77 = tpu.memref_slice %arg5[%dma_start3A_72, %dma_start3A_76] : memref<8x40xi32, #tpu.memory_space<vmem>> -> memref<1x40xi32, #tpu.memory_space<vmem>>
    %dma_start3A_78 = tpu.memref_squeeze %dma_start3A_77 : memref<1x40xi32, #tpu.memory_space<vmem>> -> memref<40xi32, #tpu.memory_space<vmem>>
    %dma_start3A_79 = arith.constant 0 : i32
    %dma_start3A_80 = arith.constant 0 : i32
    %dma_start3A_81 = tpu.memref_slice %arg2[%dma_start3A_79, %dma_start3A_80] : memref<100000x128xf32, #tpu.memory_space<hbm>> -> memref<100000x128xf32, #tpu.memory_space<hbm>>
    tpu.enqueue_indirect_dma source(%dma_start3A_81 : memref<100000x128xf32, #tpu.memory_space<hbm>>) target(%dma_start3A_75 : memref<40x128xf32, #tpu.memory_space<vmem>>) offsets(%dma_start3A_78 : memref<40xi32, #tpu.memory_space<vmem>>) semaphore(%arg7 : memref<!tpu.dma_semaphore, #tpu.memory_space<semaphore_mem>>)
    %dma_wait3A = arith.constant 0 : i32
    %dma_wait3A_82 = arith.constant 0 : i32
    %dma_wait3A_83 = arith.constant 0 : i32
    %dma_wait3A_84 = tpu.memref_slice %arg6[%dma_wait3A_82, %dma_wait3A_83] : memref<320x128xf32, #tpu.memory_space<vmem>> -> memref<40x128xf32, #tpu.memory_space<vmem>>
    %dma_wait3A_85 = arith.constant 0 : i32
    %dma_wait3A_86 = tpu.memref_slice %arg2[%dma_wait3A, %dma_wait3A_85] : memref<100000x128xf32, #tpu.memory_space<hbm>> -> memref<40x128xf32, #tpu.memory_space<hbm>>
    %dma_wait3A_87 = arith.constant 0 : i32
    %dma_wait3A_88 = tpu.memref_slice %arg6[%dma_wait3A_82, %dma_wait3A_87] : memref<320x128xf32, #tpu.memory_space<vmem>> -> memref<40x128xf32, #tpu.memory_space<vmem>>
    %dma_wait3A_89 = arith.constant 0 : i32
    %dma_wait3A_90 = tpu.memref_slice %arg2[%dma_wait3A, %dma_wait3A_89] : memref<100000x128xf32, #tpu.memory_space<hbm>> -> memref<40x128xf32, #tpu.memory_space<hbm>>
    tpu.wait_dma2 semaphore(%arg7 : memref<!tpu.dma_semaphore, #tpu.memory_space<semaphore_mem>>) src(%dma_wait3A_90 : memref<40x128xf32, #tpu.memory_space<hbm>>) dst(%dma_wait3A_88 : memref<40x128xf32, #tpu.memory_space<vmem>>)
    %dma_wait3A_91 = arith.constant 0 : i32
    %dma_wait3A_92 = arith.constant 0 : i32
    %dma_wait3A_93 = arith.constant 0 : i32
    %dma_wait3A_94 = tpu.memref_slice %arg6[%dma_wait3A_92, %dma_wait3A_93] : memref<320x128xf32, #tpu.memory_space<vmem>> -> memref<40x128xf32, #tpu.memory_space<vmem>>
    %dma_wait3A_95 = arith.constant 0 : i32
    %dma_wait3A_96 = tpu.memref_slice %arg2[%dma_wait3A_91, %dma_wait3A_95] : memref<100000x128xf32, #tpu.memory_space<hbm>> -> memref<40x128xf32, #tpu.memory_space<hbm>>
    %dma_wait3A_97 = arith.constant 0 : i32
    %dma_wait3A_98 = tpu.memref_slice %arg6[%dma_wait3A_92, %dma_wait3A_97] : memref<320x128xf32, #tpu.memory_space<vmem>> -> memref<40x128xf32, #tpu.memory_space<vmem>>
    %dma_wait3A_99 = arith.constant 0 : i32
    %dma_wait3A_100 = tpu.memref_slice %arg2[%dma_wait3A_91, %dma_wait3A_99] : memref<100000x128xf32, #tpu.memory_space<hbm>> -> memref<40x128xf32, #tpu.memory_space<hbm>>
    tpu.wait_dma2 semaphore(%arg7 : memref<!tpu.dma_semaphore, #tpu.memory_space<semaphore_mem>>) src(%dma_wait3A_100 : memref<40x128xf32, #tpu.memory_space<hbm>>) dst(%dma_wait3A_98 : memref<40x128xf32, #tpu.memory_space<vmem>>)
    %dma_wait3A_101 = arith.constant 0 : i32
    %dma_wait3A_102 = arith.constant 0 : i32
    %dma_wait3A_103 = arith.constant 0 : i32
    %dma_wait3A_104 = tpu.memref_slice %arg6[%dma_wait3A_102, %dma_wait3A_103] : memref<320x128xf32, #tpu.memory_space<vmem>> -> memref<40x128xf32, #tpu.memory_space<vmem>>
    %dma_wait3A_105 = arith.constant 0 : i32
    %dma_wait3A_106 = tpu.memref_slice %arg2[%dma_wait3A_101, %dma_wait3A_105] : memref<100000x128xf32, #tpu.memory_space<hbm>> -> memref<40x128xf32, #tpu.memory_space<hbm>>
    %dma_wait3A_107 = arith.constant 0 : i32
    %dma_wait3A_108 = tpu.memref_slice %arg6[%dma_wait3A_102, %dma_wait3A_107] : memref<320x128xf32, #tpu.memory_space<vmem>> -> memref<40x128xf32, #tpu.memory_space<vmem>>
    %dma_wait3A_109 = arith.constant 0 : i32
    %dma_wait3A_110 = tpu.memref_slice %arg2[%dma_wait3A_101, %dma_wait3A_109] : memref<100000x128xf32, #tpu.memory_space<hbm>> -> memref<40x128xf32, #tpu.memory_space<hbm>>
    tpu.wait_dma2 semaphore(%arg7 : memref<!tpu.dma_semaphore, #tpu.memory_space<semaphore_mem>>) src(%dma_wait3A_110 : memref<40x128xf32, #tpu.memory_space<hbm>>) dst(%dma_wait3A_108 : memref<40x128xf32, #tpu.memory_space<vmem>>)
    %dma_wait3A_111 = arith.constant 0 : i32
    %dma_wait3A_112 = arith.constant 0 : i32
    %dma_wait3A_113 = arith.constant 0 : i32
    %dma_wait3A_114 = tpu.memref_slice %arg6[%dma_wait3A_112, %dma_wait3A_113] : memref<320x128xf32, #tpu.memory_space<vmem>> -> memref<40x128xf32, #tpu.memory_space<vmem>>
    %dma_wait3A_115 = arith.constant 0 : i32
    %dma_wait3A_116 = tpu.memref_slice %arg2[%dma_wait3A_111, %dma_wait3A_115] : memref<100000x128xf32, #tpu.memory_space<hbm>> -> memref<40x128xf32, #tpu.memory_space<hbm>>
    %dma_wait3A_117 = arith.constant 0 : i32
    %dma_wait3A_118 = tpu.memref_slice %arg6[%dma_wait3A_112, %dma_wait3A_117] : memref<320x128xf32, #tpu.memory_space<vmem>> -> memref<40x128xf32, #tpu.memory_space<vmem>>
    %dma_wait3A_119 = arith.constant 0 : i32
    %dma_wait3A_120 = tpu.memref_slice %arg2[%dma_wait3A_111, %dma_wait3A_119] : memref<100000x128xf32, #tpu.memory_space<hbm>> -> memref<40x128xf32, #tpu.memory_space<hbm>>
    tpu.wait_dma2 semaphore(%arg7 : memref<!tpu.dma_semaphore, #tpu.memory_space<semaphore_mem>>) src(%dma_wait3A_120 : memref<40x128xf32, #tpu.memory_space<hbm>>) dst(%dma_wait3A_118 : memref<40x128xf32, #tpu.memory_space<vmem>>)
    %dma_wait3A_121 = arith.constant 0 : i32
    %dma_wait3A_122 = arith.constant 0 : i32
    %dma_wait3A_123 = arith.constant 0 : i32
    %dma_wait3A_124 = tpu.memref_slice %arg6[%dma_wait3A_122, %dma_wait3A_123] : memref<320x128xf32, #tpu.memory_space<vmem>> -> memref<40x128xf32, #tpu.memory_space<vmem>>
    %dma_wait3A_125 = arith.constant 0 : i32
    %dma_wait3A_126 = tpu.memref_slice %arg2[%dma_wait3A_121, %dma_wait3A_125] : memref<100000x128xf32, #tpu.memory_space<hbm>> -> memref<40x128xf32, #tpu.memory_space<hbm>>
    %dma_wait3A_127 = arith.constant 0 : i32
    %dma_wait3A_128 = tpu.memref_slice %arg6[%dma_wait3A_122, %dma_wait3A_127] : memref<320x128xf32, #tpu.memory_space<vmem>> -> memref<40x128xf32, #tpu.memory_space<vmem>>
    %dma_wait3A_129 = arith.constant 0 : i32
    %dma_wait3A_130 = tpu.memref_slice %arg2[%dma_wait3A_121, %dma_wait3A_129] : memref<100000x128xf32, #tpu.memory_space<hbm>> -> memref<40x128xf32, #tpu.memory_space<hbm>>
    tpu.wait_dma2 semaphore(%arg7 : memref<!tpu.dma_semaphore, #tpu.memory_space<semaphore_mem>>) src(%dma_wait3A_130 : memref<40x128xf32, #tpu.memory_space<hbm>>) dst(%dma_wait3A_128 : memref<40x128xf32, #tpu.memory_space<vmem>>)
    %dma_wait3A_131 = arith.constant 0 : i32
    %dma_wait3A_132 = arith.constant 0 : i32
    %dma_wait3A_133 = arith.constant 0 : i32
    %dma_wait3A_134 = tpu.memref_slice %arg6[%dma_wait3A_132, %dma_wait3A_133] : memref<320x128xf32, #tpu.memory_space<vmem>> -> memref<40x128xf32, #tpu.memory_space<vmem>>
    %dma_wait3A_135 = arith.constant 0 : i32
    %dma_wait3A_136 = tpu.memref_slice %arg2[%dma_wait3A_131, %dma_wait3A_135] : memref<100000x128xf32, #tpu.memory_space<hbm>> -> memref<40x128xf32, #tpu.memory_space<hbm>>
    %dma_wait3A_137 = arith.constant 0 : i32
    %dma_wait3A_138 = tpu.memref_slice %arg6[%dma_wait3A_132, %dma_wait3A_137] : memref<320x128xf32, #tpu.memory_space<vmem>> -> memref<40x128xf32, #tpu.memory_space<vmem>>
    %dma_wait3A_139 = arith.constant 0 : i32
    %dma_wait3A_140 = tpu.memref_slice %arg2[%dma_wait3A_131, %dma_wait3A_139] : memref<100000x128xf32, #tpu.memory_space<hbm>> -> memref<40x128xf32, #tpu.memory_space<hbm>>
    tpu.wait_dma2 semaphore(%arg7 : memref<!tpu.dma_semaphore, #tpu.memory_space<semaphore_mem>>) src(%dma_wait3A_140 : memref<40x128xf32, #tpu.memory_space<hbm>>) dst(%dma_wait3A_138 : memref<40x128xf32, #tpu.memory_space<vmem>>)
    %dma_wait3A_141 = arith.constant 0 : i32
    %dma_wait3A_142 = arith.constant 0 : i32
    %dma_wait3A_143 = arith.constant 0 : i32
    %dma_wait3A_144 = tpu.memref_slice %arg6[%dma_wait3A_142, %dma_wait3A_143] : memref<320x128xf32, #tpu.memory_space<vmem>> -> memref<40x128xf32, #tpu.memory_space<vmem>>
    %dma_wait3A_145 = arith.constant 0 : i32
    %dma_wait3A_146 = tpu.memref_slice %arg2[%dma_wait3A_141, %dma_wait3A_145] : memref<100000x128xf32, #tpu.memory_space<hbm>> -> memref<40x128xf32, #tpu.memory_space<hbm>>
    %dma_wait3A_147 = arith.constant 0 : i32
    %dma_wait3A_148 = tpu.memref_slice %arg6[%dma_wait3A_142, %dma_wait3A_147] : memref<320x128xf32, #tpu.memory_space<vmem>> -> memref<40x128xf32, #tpu.memory_space<vmem>>
    %dma_wait3A_149 = arith.constant 0 : i32
    %dma_wait3A_150 = tpu.memref_slice %arg2[%dma_wait3A_141, %dma_wait3A_149] : memref<100000x128xf32, #tpu.memory_space<hbm>> -> memref<40x128xf32, #tpu.memory_space<hbm>>
    tpu.wait_dma2 semaphore(%arg7 : memref<!tpu.dma_semaphore, #tpu.memory_space<semaphore_mem>>) src(%dma_wait3A_150 : memref<40x128xf32, #tpu.memory_space<hbm>>) dst(%dma_wait3A_148 : memref<40x128xf32, #tpu.memory_space<vmem>>)
    %dma_wait3A_151 = arith.constant 0 : i32
    %dma_wait3A_152 = arith.constant 0 : i32
    %dma_wait3A_153 = arith.constant 0 : i32
    %dma_wait3A_154 = tpu.memref_slice %arg6[%dma_wait3A_152, %dma_wait3A_153] : memref<320x128xf32, #tpu.memory_space<vmem>> -> memref<40x128xf32, #tpu.memory_space<vmem>>
    %dma_wait3A_155 = arith.constant 0 : i32
    %dma_wait3A_156 = tpu.memref_slice %arg2[%dma_wait3A_151, %dma_wait3A_155] : memref<100000x128xf32, #tpu.memory_space<hbm>> -> memref<40x128xf32, #tpu.memory_space<hbm>>
    %dma_wait3A_157 = arith.constant 0 : i32
    %dma_wait3A_158 = tpu.memref_slice %arg6[%dma_wait3A_152, %dma_wait3A_157] : memref<320x128xf32, #tpu.memory_space<vmem>> -> memref<40x128xf32, #tpu.memory_space<vmem>>
    %dma_wait3A_159 = arith.constant 0 : i32
    %dma_wait3A_160 = tpu.memref_slice %arg2[%dma_wait3A_151, %dma_wait3A_159] : memref<100000x128xf32, #tpu.memory_space<hbm>> -> memref<40x128xf32, #tpu.memory_space<hbm>>
    tpu.wait_dma2 semaphore(%arg7 : memref<!tpu.dma_semaphore, #tpu.memory_space<semaphore_mem>>) src(%dma_wait3A_160 : memref<40x128xf32, #tpu.memory_space<hbm>>) dst(%dma_wait3A_158 : memref<40x128xf32, #tpu.memory_space<vmem>>)
    %mul3A_161 = arith.constant 320 : i32
    %mul3A_162 = arith.muli %add3A, %mul3A_161 : i32
    "tpu.region"() ({
      %run_scoped3A = tpu.sem_alloc : memref<!tpu.dma_semaphore, #tpu.memory_space<semaphore_mem>>
      %dma_start3A_163 = arith.constant 0 : i32
      %dma_start3A_164 = tpu.memref_slice %arg4[%mul3A_162, %dma_start3A_163] : memref<10240x128xf32, #tpu.memory_space<hbm>> -> memref<320x128xf32, #tpu.memory_space<hbm>>
      %dma_start3A_165 = arith.constant 0 : i32
      %dma_start3A_166 = tpu.memref_slice %arg4[%mul3A_162, %dma_start3A_165] : memref<10240x128xf32, #tpu.memory_space<hbm>> -> memref<320x128xf32, #tpu.memory_space<hbm>>
      tpu.enqueue_dma source(%arg6 : memref<320x128xf32, #tpu.memory_space<vmem>>) target(%dma_start3A_166 : memref<320x128xf32, #tpu.memory_space<hbm>>) target_semaphore(%run_scoped3A : memref<!tpu.dma_semaphore, #tpu.memory_space<semaphore_mem>>)
      %dma_wait3A_167 = arith.constant 0 : i32
      %dma_wait3A_168 = tpu.memref_slice %arg4[%mul3A_162, %dma_wait3A_167] : memref<10240x128xf32, #tpu.memory_space<hbm>> -> memref<320x128xf32, #tpu.memory_space<hbm>>
      %dma_wait3A_169 = arith.constant 0 : i32
      %dma_wait3A_170 = tpu.memref_slice %arg4[%mul3A_162, %dma_wait3A_169] : memref<10240x128xf32, #tpu.memory_space<hbm>> -> memref<320x128xf32, #tpu.memory_space<hbm>>
      tpu.wait_dma2 semaphore(%run_scoped3A : memref<!tpu.dma_semaphore, #tpu.memory_space<semaphore_mem>>) src(%arg6 : memref<320x128xf32, #tpu.memory_space<vmem>>) dst(%dma_wait3A_170 : memref<320x128xf32, #tpu.memory_space<hbm>>)
      tpu.yield
    }) : () -> ()
    return
  }
}

#map = affine_map<(d0, d1) -> (0, 0)>
#map1 = affine_map<(d0, d1) -> (0)>
module attributes {stable_mosaic.version = 14 : i64} {
  func.func @k(%arg0: i32, %arg1: i32, %arg2: memref<10240x128xf32, #tpu.memory_space<hbm>>, %arg3: memref<320000xi32, #tpu.memory_space<hbm>>, %arg4: memref<320000xi32, #tpu.memory_space<hbm>>, %arg5: memref<640x128xf32, #tpu.memory_space<hbm>>, %arg6: memref<20000x128xf32, #tpu.memory_space<hbm>>, %arg7: memref<128xi32, #tpu.memory_space<vmem>>, %arg8: memref<128xi32, #tpu.memory_space<vmem>>, %arg9: memref<128xi32, #tpu.memory_space<vmem>>, %arg10: memref<128xi32, #tpu.memory_space<vmem>>, %arg11: memref<16xi32, #tpu.memory_space<vmem>>, %arg12: memref<16xi32, #tpu.memory_space<vmem>>, %arg13: memref<128x128xf32, #tpu.memory_space<vmem>>, %arg14: memref<128x128xf32, #tpu.memory_space<vmem>>, %arg15: memref<10000x128xf32, #tpu.memory_space<vmem_shared>>, %arg16: memref<!tpu.dma_semaphore, #tpu.memory_space<semaphore_mem>>, %arg17: memref<!tpu.dma_semaphore, #tpu.memory_space<semaphore_mem>>) attributes {dimension_semantics = [#tpu.dimension_semantics<core_parallel>, #tpu.dimension_semantics<subcore_parallel>], iteration_bounds = array<i64: 2, 16>, scalar_prefetch = 0 : i64, scratch_operands = 11 : i64, tpu.core_type = #tpu.core_type<sc_vector_subcore>, window_params = [{transform_indices = #map}, {transform_indices = #map1}, {transform_indices = #map1}, {transform_indices = #map}, {transform_indices = #map}]} {
    %mul3A = arith.constant 2 : i32
    %mul3A_0 = arith.muli %arg1, %mul3A : i32
    %add3A = arith.addi %mul3A_0, %arg0 : i32
    %mul3A_1 = arith.constant 624 : i32
    %mul3A_2 = arith.muli %arg1, %mul3A_1 : i32
    "tpu.region"() ({
      %run_scoped3A_50 = tpu.sem_alloc : memref<!tpu.dma_semaphore, #tpu.memory_space<semaphore_mem>>
      %dma_start3A_51 = arith.constant 0 : i32
      %dma_start3A_52 = tpu.memref_slice %arg15[%mul3A_2, %dma_start3A_51] : memref<10000x128xf32, #tpu.memory_space<vmem_shared>> -> memref<624x128xf32, #tpu.memory_space<vmem_shared>>
      %dma_start3A_53 = arith.constant 0 : i32
      %dma_start3A_54 = arith.constant 0 : i32
      %dma_start3A_55 = tpu.memref_slice %arg5[%dma_start3A_53, %dma_start3A_54] : memref<640x128xf32, #tpu.memory_space<hbm>> -> memref<624x128xf32, #tpu.memory_space<hbm>>
      tpu.enqueue_dma source(%dma_start3A_55 : memref<624x128xf32, #tpu.memory_space<hbm>>) target(%dma_start3A_52 : memref<624x128xf32, #tpu.memory_space<vmem_shared>>) target_semaphore(%run_scoped3A_50 : memref<!tpu.dma_semaphore, #tpu.memory_space<semaphore_mem>>)
      %dma_wait3A_56 = arith.constant 0 : i32
      %dma_wait3A_57 = tpu.memref_slice %arg15[%mul3A_2, %dma_wait3A_56] : memref<10000x128xf32, #tpu.memory_space<vmem_shared>> -> memref<624x128xf32, #tpu.memory_space<vmem_shared>>
      %dma_wait3A_58 = arith.constant 0 : i32
      %dma_wait3A_59 = arith.constant 0 : i32
      %dma_wait3A_60 = tpu.memref_slice %arg5[%dma_wait3A_58, %dma_wait3A_59] : memref<640x128xf32, #tpu.memory_space<hbm>> -> memref<624x128xf32, #tpu.memory_space<hbm>>
      tpu.wait_dma2 semaphore(%run_scoped3A_50 : memref<!tpu.dma_semaphore, #tpu.memory_space<semaphore_mem>>) src(%dma_wait3A_60 : memref<624x128xf32, #tpu.memory_space<hbm>>) dst(%dma_wait3A_57 : memref<624x128xf32, #tpu.memory_space<vmem_shared>>)
      tpu.yield
    }) : () -> ()
    %eq3A = arith.constant 15 : i32
    %eq3A_3 = arith.cmpi eq, %arg1, %eq3A : i32
    %convert_element_type3A = arith.extui %eq3A_3 : i1 to i32
    %cond3A = arith.constant 0 : i32
    %cond3A_4 = arith.cmpi ne, %convert_element_type3A, %cond3A : i32
    scf.if %cond3A_4 {
      "tpu.region"() ({
        %run_scoped3A_50 = tpu.sem_alloc : memref<!tpu.dma_semaphore, #tpu.memory_space<semaphore_mem>>
        %dma_start3A_51 = arith.constant 9984 : i32
        %dma_start3A_52 = arith.constant 0 : i32
        %dma_start3A_53 = tpu.memref_slice %arg15[%dma_start3A_51, %dma_start3A_52] : memref<10000x128xf32, #tpu.memory_space<vmem_shared>> -> memref<16x128xf32, #tpu.memory_space<vmem_shared>>
        %dma_start3A_54 = arith.constant 624 : i32
        %dma_start3A_55 = arith.constant 0 : i32
        %dma_start3A_56 = tpu.memref_slice %arg5[%dma_start3A_54, %dma_start3A_55] : memref<640x128xf32, #tpu.memory_space<hbm>> -> memref<16x128xf32, #tpu.memory_space<hbm>>
        tpu.enqueue_dma source(%dma_start3A_56 : memref<16x128xf32, #tpu.memory_space<hbm>>) target(%dma_start3A_53 : memref<16x128xf32, #tpu.memory_space<vmem_shared>>) target_semaphore(%run_scoped3A_50 : memref<!tpu.dma_semaphore, #tpu.memory_space<semaphore_mem>>)
        %dma_wait3A_57 = arith.constant 9984 : i32
        %dma_wait3A_58 = arith.constant 0 : i32
        %dma_wait3A_59 = tpu.memref_slice %arg15[%dma_wait3A_57, %dma_wait3A_58] : memref<10000x128xf32, #tpu.memory_space<vmem_shared>> -> memref<16x128xf32, #tpu.memory_space<vmem_shared>>
        %dma_wait3A_60 = arith.constant 624 : i32
        %dma_wait3A_61 = arith.constant 0 : i32
        %dma_wait3A_62 = tpu.memref_slice %arg5[%dma_wait3A_60, %dma_wait3A_61] : memref<640x128xf32, #tpu.memory_space<hbm>> -> memref<16x128xf32, #tpu.memory_space<hbm>>
        tpu.wait_dma2 semaphore(%run_scoped3A_50 : memref<!tpu.dma_semaphore, #tpu.memory_space<semaphore_mem>>) src(%dma_wait3A_62 : memref<16x128xf32, #tpu.memory_space<hbm>>) dst(%dma_wait3A_59 : memref<16x128xf32, #tpu.memory_space<vmem_shared>>)
        tpu.yield
      }) : () -> ()
    } else {
    }
    %barrier3A = arith.constant 0 : index
    tpu.barrier barrier_id(%barrier3A)
    %mul3A_5 = arith.constant 10000 : i32
    %mul3A_6 = arith.muli %add3A, %mul3A_5 : i32
    %mul3A_7 = arith.constant 0 : i32
    %mul3A_8 = arith.constant 128 : i32
    %mul3A_9 = arith.muli %mul3A_7, %mul3A_8 : i32
    %add3A_10 = arith.addi %mul3A_6, %mul3A_9 : i32
    "tpu.region"() ({
      %run_scoped3A_50 = tpu.sem_alloc : memref<!tpu.dma_semaphore, #tpu.memory_space<semaphore_mem>>
      %dma_start3A_51 = tpu.memref_slice %arg3[%add3A_10] : memref<320000xi32, #tpu.memory_space<hbm>> -> memref<128xi32, #tpu.memory_space<hbm>>
      %dma_start3A_52 = tpu.memref_slice %arg3[%add3A_10] : memref<320000xi32, #tpu.memory_space<hbm>> -> memref<128xi32, #tpu.memory_space<hbm>>
      tpu.enqueue_dma source(%dma_start3A_52 : memref<128xi32, #tpu.memory_space<hbm>>) target(%arg7 : memref<128xi32, #tpu.memory_space<vmem>>) target_semaphore(%run_scoped3A_50 : memref<!tpu.dma_semaphore, #tpu.memory_space<semaphore_mem>>)
      %dma_wait3A_53 = tpu.memref_slice %arg3[%add3A_10] : memref<320000xi32, #tpu.memory_space<hbm>> -> memref<128xi32, #tpu.memory_space<hbm>>
      %dma_wait3A_54 = tpu.memref_slice %arg3[%add3A_10] : memref<320000xi32, #tpu.memory_space<hbm>> -> memref<128xi32, #tpu.memory_space<hbm>>
      tpu.wait_dma2 semaphore(%run_scoped3A_50 : memref<!tpu.dma_semaphore, #tpu.memory_space<semaphore_mem>>) src(%dma_wait3A_54 : memref<128xi32, #tpu.memory_space<hbm>>) dst(%arg7 : memref<128xi32, #tpu.memory_space<vmem>>)
      tpu.yield
    }) : () -> ()
    "tpu.region"() ({
      %run_scoped3A_50 = tpu.sem_alloc : memref<!tpu.dma_semaphore, #tpu.memory_space<semaphore_mem>>
      %dma_start3A_51 = tpu.memref_slice %arg4[%add3A_10] : memref<320000xi32, #tpu.memory_space<hbm>> -> memref<128xi32, #tpu.memory_space<hbm>>
      %dma_start3A_52 = tpu.memref_slice %arg4[%add3A_10] : memref<320000xi32, #tpu.memory_space<hbm>> -> memref<128xi32, #tpu.memory_space<hbm>>
      tpu.enqueue_dma source(%dma_start3A_52 : memref<128xi32, #tpu.memory_space<hbm>>) target(%arg9 : memref<128xi32, #tpu.memory_space<vmem>>) target_semaphore(%run_scoped3A_50 : memref<!tpu.dma_semaphore, #tpu.memory_space<semaphore_mem>>)
      %dma_wait3A_53 = tpu.memref_slice %arg4[%add3A_10] : memref<320000xi32, #tpu.memory_space<hbm>> -> memref<128xi32, #tpu.memory_space<hbm>>
      %dma_wait3A_54 = tpu.memref_slice %arg4[%add3A_10] : memref<320000xi32, #tpu.memory_space<hbm>> -> memref<128xi32, #tpu.memory_space<hbm>>
      tpu.wait_dma2 semaphore(%run_scoped3A_50 : memref<!tpu.dma_semaphore, #tpu.memory_space<semaphore_mem>>) src(%dma_wait3A_54 : memref<128xi32, #tpu.memory_space<hbm>>) dst(%arg9 : memref<128xi32, #tpu.memory_space<vmem>>)
      tpu.yield
    }) : () -> ()
    %dma_start3A = arith.constant 0 : i32
    %dma_start3A_11 = arith.constant 0 : i32
    %dma_start3A_12 = tpu.memref_slice %arg2[%dma_start3A, %dma_start3A_11] : memref<10240x128xf32, #tpu.memory_space<hbm>> -> memref<10240x128xf32, #tpu.memory_space<hbm>>
    tpu.enqueue_indirect_dma source(%dma_start3A_12 : memref<10240x128xf32, #tpu.memory_space<hbm>>) target(%arg13 : memref<128x128xf32, #tpu.memory_space<vmem>>) offsets(%arg7 : memref<128xi32, #tpu.memory_space<vmem>>) semaphore(%arg16 : memref<!tpu.dma_semaphore, #tpu.memory_space<semaphore_mem>>)
    %mul3A_13 = arith.constant 10000 : i32
    %mul3A_14 = arith.muli %add3A, %mul3A_13 : i32
    %mul3A_15 = arith.constant 1 : i32
    %mul3A_16 = arith.constant 128 : i32
    %mul3A_17 = arith.muli %mul3A_15, %mul3A_16 : i32
    %add3A_18 = arith.addi %mul3A_14, %mul3A_17 : i32
    "tpu.region"() ({
      %run_scoped3A_50 = tpu.sem_alloc : memref<!tpu.dma_semaphore, #tpu.memory_space<semaphore_mem>>
      %dma_start3A_51 = tpu.memref_slice %arg3[%add3A_18] : memref<320000xi32, #tpu.memory_space<hbm>> -> memref<128xi32, #tpu.memory_space<hbm>>
      %dma_start3A_52 = tpu.memref_slice %arg3[%add3A_18] : memref<320000xi32, #tpu.memory_space<hbm>> -> memref<128xi32, #tpu.memory_space<hbm>>
      tpu.enqueue_dma source(%dma_start3A_52 : memref<128xi32, #tpu.memory_space<hbm>>) target(%arg8 : memref<128xi32, #tpu.memory_space<vmem>>) target_semaphore(%run_scoped3A_50 : memref<!tpu.dma_semaphore, #tpu.memory_space<semaphore_mem>>)
      %dma_wait3A_53 = tpu.memref_slice %arg3[%add3A_18] : memref<320000xi32, #tpu.memory_space<hbm>> -> memref<128xi32, #tpu.memory_space<hbm>>
      %dma_wait3A_54 = tpu.memref_slice %arg3[%add3A_18] : memref<320000xi32, #tpu.memory_space<hbm>> -> memref<128xi32, #tpu.memory_space<hbm>>
      tpu.wait_dma2 semaphore(%run_scoped3A_50 : memref<!tpu.dma_semaphore, #tpu.memory_space<semaphore_mem>>) src(%dma_wait3A_54 : memref<128xi32, #tpu.memory_space<hbm>>) dst(%arg8 : memref<128xi32, #tpu.memory_space<vmem>>)
      tpu.yield
    }) : () -> ()
    "tpu.region"() ({
      %run_scoped3A_50 = tpu.sem_alloc : memref<!tpu.dma_semaphore, #tpu.memory_space<semaphore_mem>>
      %dma_start3A_51 = tpu.memref_slice %arg4[%add3A_18] : memref<320000xi32, #tpu.memory_space<hbm>> -> memref<128xi32, #tpu.memory_space<hbm>>
      %dma_start3A_52 = tpu.memref_slice %arg4[%add3A_18] : memref<320000xi32, #tpu.memory_space<hbm>> -> memref<128xi32, #tpu.memory_space<hbm>>
      tpu.enqueue_dma source(%dma_start3A_52 : memref<128xi32, #tpu.memory_space<hbm>>) target(%arg10 : memref<128xi32, #tpu.memory_space<vmem>>) target_semaphore(%run_scoped3A_50 : memref<!tpu.dma_semaphore, #tpu.memory_space<semaphore_mem>>)
      %dma_wait3A_53 = tpu.memref_slice %arg4[%add3A_18] : memref<320000xi32, #tpu.memory_space<hbm>> -> memref<128xi32, #tpu.memory_space<hbm>>
      %dma_wait3A_54 = tpu.memref_slice %arg4[%add3A_18] : memref<320000xi32, #tpu.memory_space<hbm>> -> memref<128xi32, #tpu.memory_space<hbm>>
      tpu.wait_dma2 semaphore(%run_scoped3A_50 : memref<!tpu.dma_semaphore, #tpu.memory_space<semaphore_mem>>) src(%dma_wait3A_54 : memref<128xi32, #tpu.memory_space<hbm>>) dst(%arg10 : memref<128xi32, #tpu.memory_space<vmem>>)
      tpu.yield
    }) : () -> ()
    %dma_start3A_19 = arith.constant 0 : i32
    %dma_start3A_20 = arith.constant 0 : i32
    %dma_start3A_21 = tpu.memref_slice %arg2[%dma_start3A_19, %dma_start3A_20] : memref<10240x128xf32, #tpu.memory_space<hbm>> -> memref<10240x128xf32, #tpu.memory_space<hbm>>
    tpu.enqueue_indirect_dma source(%dma_start3A_21 : memref<10240x128xf32, #tpu.memory_space<hbm>>) target(%arg14 : memref<128x128xf32, #tpu.memory_space<vmem>>) offsets(%arg8 : memref<128xi32, #tpu.memory_space<vmem>>) semaphore(%arg17 : memref<!tpu.dma_semaphore, #tpu.memory_space<semaphore_mem>>)
    %scan3A = arith.constant 0 : i32
    %scan3A_22 = arith.constant 39 : i32
    %scan3A_23 = arith.addi %scan3A, %scan3A_22 : i32
    %scan3A_24 = arith.constant 1 : i32
    scf.for %scan3A_50 = %scan3A to %scan3A_23 step %scan3A_24  : i32 {
      %mul3A_51 = arith.constant 2 : i32
      %mul3A_52 = arith.muli %scan3A_50, %mul3A_51 : i32
      %add3A_53 = arith.constant 0 : i32
      %add3A_54 = arith.addi %add3A_53, %mul3A_52 : i32
      %add3A_55 = arith.constant 0 : i32
      %add3A_56 = arith.addi %add3A_54, %add3A_55 : i32
      %dma_wait3A_57 = arith.constant 0 : i32
      %dma_wait3A_58 = arith.constant 0 : i32
      %dma_wait3A_59 = tpu.memref_slice %arg2[%dma_wait3A_57, %dma_wait3A_58] : memref<10240x128xf32, #tpu.memory_space<hbm>> -> memref<128x128xf32, #tpu.memory_space<hbm>>
      %dma_wait3A_60 = arith.constant 0 : i32
      %dma_wait3A_61 = tpu.memref_slice %arg2[%dma_wait3A_57, %dma_wait3A_60] : memref<10240x128xf32, #tpu.memory_space<hbm>> -> memref<128x128xf32, #tpu.memory_space<hbm>>
      tpu.wait_dma2 semaphore(%arg16 : memref<!tpu.dma_semaphore, #tpu.memory_space<semaphore_mem>>) src(%dma_wait3A_61 : memref<128x128xf32, #tpu.memory_space<hbm>>) dst(%arg13 : memref<128x128xf32, #tpu.memory_space<vmem>>)
      "tpu.region"() ({
        %run_scoped3A_82 = tpu.sem_alloc : memref<!tpu.dma_semaphore, #tpu.memory_space<semaphore_mem>>
        %dma_start3A_83 = arith.constant 0 : i32
        %dma_start3A_84 = arith.constant 0 : i32
        %dma_start3A_85 = tpu.memref_slice %arg15[%dma_start3A_83, %dma_start3A_84] : memref<10000x128xf32, #tpu.memory_space<vmem_shared>> -> memref<10000x128xf32, #tpu.memory_space<vmem_shared>>
        tpu.enqueue_indirect_dma source(%arg13 : memref<128x128xf32, #tpu.memory_space<vmem>>) target(%dma_start3A_85 : memref<10000x128xf32, #tpu.memory_space<vmem_shared>>) offsets(%arg9 : memref<128xi32, #tpu.memory_space<vmem>>) semaphore(%run_scoped3A_82 : memref<!tpu.dma_semaphore, #tpu.memory_space<semaphore_mem>>) {add = true}
        %dma_wait3A_86 = arith.constant 0 : i32
        %dma_wait3A_87 = arith.constant 0 : i32
        %dma_wait3A_88 = tpu.memref_slice %arg15[%dma_wait3A_86, %dma_wait3A_87] : memref<10000x128xf32, #tpu.memory_space<vmem_shared>> -> memref<10000x128xf32, #tpu.memory_space<vmem_shared>>
        tpu.wait_indirect_dma semaphore(%run_scoped3A_82 : memref<!tpu.dma_semaphore, #tpu.memory_space<semaphore_mem>>) src(%arg13 : memref<128x128xf32, #tpu.memory_space<vmem>>) dst(%dma_wait3A_88 : memref<10000x128xf32, #tpu.memory_space<vmem_shared>>)
        tpu.yield
      }) : () -> ()
      %add3A_62 = arith.constant 2 : i32
      %add3A_63 = arith.addi %add3A_56, %add3A_62 : i32
      %lt3A = arith.constant 78 : i32
      %lt3A_64 = arith.cmpi slt, %add3A_63, %lt3A : i32
      %convert_element_type3A_65 = arith.extui %lt3A_64 : i1 to i32
      %cond3A_66 = arith.constant 0 : i32
      %cond3A_67 = arith.cmpi ne, %convert_element_type3A_65, %cond3A_66 : i32
      scf.if %cond3A_67 {
        %mul3A_82 = arith.constant 10000 : i32
        %mul3A_83 = arith.muli %add3A, %mul3A_82 : i32
        %mul3A_84 = arith.constant 128 : i32
        %mul3A_85 = arith.muli %add3A_63, %mul3A_84 : i32
        %add3A_86 = arith.addi %mul3A_83, %mul3A_85 : i32
        "tpu.region"() ({
          %run_scoped3A_90 = tpu.sem_alloc : memref<!tpu.dma_semaphore, #tpu.memory_space<semaphore_mem>>
          %dma_start3A_91 = tpu.memref_slice %arg3[%add3A_86] : memref<320000xi32, #tpu.memory_space<hbm>> -> memref<128xi32, #tpu.memory_space<hbm>>
          %dma_start3A_92 = tpu.memref_slice %arg3[%add3A_86] : memref<320000xi32, #tpu.memory_space<hbm>> -> memref<128xi32, #tpu.memory_space<hbm>>
          tpu.enqueue_dma source(%dma_start3A_92 : memref<128xi32, #tpu.memory_space<hbm>>) target(%arg7 : memref<128xi32, #tpu.memory_space<vmem>>) target_semaphore(%run_scoped3A_90 : memref<!tpu.dma_semaphore, #tpu.memory_space<semaphore_mem>>)
          %dma_wait3A_93 = tpu.memref_slice %arg3[%add3A_86] : memref<320000xi32, #tpu.memory_space<hbm>> -> memref<128xi32, #tpu.memory_space<hbm>>
          %dma_wait3A_94 = tpu.memref_slice %arg3[%add3A_86] : memref<320000xi32, #tpu.memory_space<hbm>> -> memref<128xi32, #tpu.memory_space<hbm>>
          tpu.wait_dma2 semaphore(%run_scoped3A_90 : memref<!tpu.dma_semaphore, #tpu.memory_space<semaphore_mem>>) src(%dma_wait3A_94 : memref<128xi32, #tpu.memory_space<hbm>>) dst(%arg7 : memref<128xi32, #tpu.memory_space<vmem>>)
          tpu.yield
        }) : () -> ()
        "tpu.region"() ({
          %run_scoped3A_90 = tpu.sem_alloc : memref<!tpu.dma_semaphore, #tpu.memory_space<semaphore_mem>>
          %dma_start3A_91 = tpu.memref_slice %arg4[%add3A_86] : memref<320000xi32, #tpu.memory_space<hbm>> -> memref<128xi32, #tpu.memory_space<hbm>>
          %dma_start3A_92 = tpu.memref_slice %arg4[%add3A_86] : memref<320000xi32, #tpu.memory_space<hbm>> -> memref<128xi32, #tpu.memory_space<hbm>>
          tpu.enqueue_dma source(%dma_start3A_92 : memref<128xi32, #tpu.memory_space<hbm>>) target(%arg9 : memref<128xi32, #tpu.memory_space<vmem>>) target_semaphore(%run_scoped3A_90 : memref<!tpu.dma_semaphore, #tpu.memory_space<semaphore_mem>>)
          %dma_wait3A_93 = tpu.memref_slice %arg4[%add3A_86] : memref<320000xi32, #tpu.memory_space<hbm>> -> memref<128xi32, #tpu.memory_space<hbm>>
          %dma_wait3A_94 = tpu.memref_slice %arg4[%add3A_86] : memref<320000xi32, #tpu.memory_space<hbm>> -> memref<128xi32, #tpu.memory_space<hbm>>
          tpu.wait_dma2 semaphore(%run_scoped3A_90 : memref<!tpu.dma_semaphore, #tpu.memory_space<semaphore_mem>>) src(%dma_wait3A_94 : memref<128xi32, #tpu.memory_space<hbm>>) dst(%arg9 : memref<128xi32, #tpu.memory_space<vmem>>)
          tpu.yield
        }) : () -> ()
        %dma_start3A_87 = arith.constant 0 : i32
        %dma_start3A_88 = arith.constant 0 : i32
        %dma_start3A_89 = tpu.memref_slice %arg2[%dma_start3A_87, %dma_start3A_88] : memref<10240x128xf32, #tpu.memory_space<hbm>> -> memref<10240x128xf32, #tpu.memory_space<hbm>>
        tpu.enqueue_indirect_dma source(%dma_start3A_89 : memref<10240x128xf32, #tpu.memory_space<hbm>>) target(%arg13 : memref<128x128xf32, #tpu.memory_space<vmem>>) offsets(%arg7 : memref<128xi32, #tpu.memory_space<vmem>>) semaphore(%arg16 : memref<!tpu.dma_semaphore, #tpu.memory_space<semaphore_mem>>)
      } else {
      }
      %add3A_68 = arith.constant 1 : i32
      %add3A_69 = arith.addi %add3A_54, %add3A_68 : i32
      %dma_wait3A_70 = arith.constant 0 : i32
      %dma_wait3A_71 = arith.constant 0 : i32
      %dma_wait3A_72 = tpu.memref_slice %arg2[%dma_wait3A_70, %dma_wait3A_71] : memref<10240x128xf32, #tpu.memory_space<hbm>> -> memref<128x128xf32, #tpu.memory_space<hbm>>
      %dma_wait3A_73 = arith.constant 0 : i32
      %dma_wait3A_74 = tpu.memref_slice %arg2[%dma_wait3A_70, %dma_wait3A_73] : memref<10240x128xf32, #tpu.memory_space<hbm>> -> memref<128x128xf32, #tpu.memory_space<hbm>>
      tpu.wait_dma2 semaphore(%arg17 : memref<!tpu.dma_semaphore, #tpu.memory_space<semaphore_mem>>) src(%dma_wait3A_74 : memref<128x128xf32, #tpu.memory_space<hbm>>) dst(%arg14 : memref<128x128xf32, #tpu.memory_space<vmem>>)
      "tpu.region"() ({
        %run_scoped3A_82 = tpu.sem_alloc : memref<!tpu.dma_semaphore, #tpu.memory_space<semaphore_mem>>
        %dma_start3A_83 = arith.constant 0 : i32
        %dma_start3A_84 = arith.constant 0 : i32
        %dma_start3A_85 = tpu.memref_slice %arg15[%dma_start3A_83, %dma_start3A_84] : memref<10000x128xf32, #tpu.memory_space<vmem_shared>> -> memref<10000x128xf32, #tpu.memory_space<vmem_shared>>
        tpu.enqueue_indirect_dma source(%arg14 : memref<128x128xf32, #tpu.memory_space<vmem>>) target(%dma_start3A_85 : memref<10000x128xf32, #tpu.memory_space<vmem_shared>>) offsets(%arg10 : memref<128xi32, #tpu.memory_space<vmem>>) semaphore(%run_scoped3A_82 : memref<!tpu.dma_semaphore, #tpu.memory_space<semaphore_mem>>) {add = true}
        %dma_wait3A_86 = arith.constant 0 : i32
        %dma_wait3A_87 = arith.constant 0 : i32
        %dma_wait3A_88 = tpu.memref_slice %arg15[%dma_wait3A_86, %dma_wait3A_87] : memref<10000x128xf32, #tpu.memory_space<vmem_shared>> -> memref<10000x128xf32, #tpu.memory_space<vmem_shared>>
        tpu.wait_indirect_dma semaphore(%run_scoped3A_82 : memref<!tpu.dma_semaphore, #tpu.memory_space<semaphore_mem>>) src(%arg14 : memref<128x128xf32, #tpu.memory_space<vmem>>) dst(%dma_wait3A_88 : memref<10000x128xf32, #tpu.memory_space<vmem_shared>>)
        tpu.yield
      }) : () -> ()
      %add3A_75 = arith.constant 2 : i32
      %add3A_76 = arith.addi %add3A_69, %add3A_75 : i32
      %lt3A_77 = arith.constant 78 : i32
      %lt3A_78 = arith.cmpi slt, %add3A_76, %lt3A_77 : i32
      %convert_element_type3A_79 = arith.extui %lt3A_78 : i1 to i32
      %cond3A_80 = arith.constant 0 : i32
      %cond3A_81 = arith.cmpi ne, %convert_element_type3A_79, %cond3A_80 : i32
      scf.if %cond3A_81 {
        %mul3A_82 = arith.constant 10000 : i32
        %mul3A_83 = arith.muli %add3A, %mul3A_82 : i32
        %mul3A_84 = arith.constant 128 : i32
        %mul3A_85 = arith.muli %add3A_76, %mul3A_84 : i32
        %add3A_86 = arith.addi %mul3A_83, %mul3A_85 : i32
        "tpu.region"() ({
          %run_scoped3A_90 = tpu.sem_alloc : memref<!tpu.dma_semaphore, #tpu.memory_space<semaphore_mem>>
          %dma_start3A_91 = tpu.memref_slice %arg3[%add3A_86] : memref<320000xi32, #tpu.memory_space<hbm>> -> memref<128xi32, #tpu.memory_space<hbm>>
          %dma_start3A_92 = tpu.memref_slice %arg3[%add3A_86] : memref<320000xi32, #tpu.memory_space<hbm>> -> memref<128xi32, #tpu.memory_space<hbm>>
          tpu.enqueue_dma source(%dma_start3A_92 : memref<128xi32, #tpu.memory_space<hbm>>) target(%arg8 : memref<128xi32, #tpu.memory_space<vmem>>) target_semaphore(%run_scoped3A_90 : memref<!tpu.dma_semaphore, #tpu.memory_space<semaphore_mem>>)
          %dma_wait3A_93 = tpu.memref_slice %arg3[%add3A_86] : memref<320000xi32, #tpu.memory_space<hbm>> -> memref<128xi32, #tpu.memory_space<hbm>>
          %dma_wait3A_94 = tpu.memref_slice %arg3[%add3A_86] : memref<320000xi32, #tpu.memory_space<hbm>> -> memref<128xi32, #tpu.memory_space<hbm>>
          tpu.wait_dma2 semaphore(%run_scoped3A_90 : memref<!tpu.dma_semaphore, #tpu.memory_space<semaphore_mem>>) src(%dma_wait3A_94 : memref<128xi32, #tpu.memory_space<hbm>>) dst(%arg8 : memref<128xi32, #tpu.memory_space<vmem>>)
          tpu.yield
        }) : () -> ()
        "tpu.region"() ({
          %run_scoped3A_90 = tpu.sem_alloc : memref<!tpu.dma_semaphore, #tpu.memory_space<semaphore_mem>>
          %dma_start3A_91 = tpu.memref_slice %arg4[%add3A_86] : memref<320000xi32, #tpu.memory_space<hbm>> -> memref<128xi32, #tpu.memory_space<hbm>>
          %dma_start3A_92 = tpu.memref_slice %arg4[%add3A_86] : memref<320000xi32, #tpu.memory_space<hbm>> -> memref<128xi32, #tpu.memory_space<hbm>>
          tpu.enqueue_dma source(%dma_start3A_92 : memref<128xi32, #tpu.memory_space<hbm>>) target(%arg10 : memref<128xi32, #tpu.memory_space<vmem>>) target_semaphore(%run_scoped3A_90 : memref<!tpu.dma_semaphore, #tpu.memory_space<semaphore_mem>>)
          %dma_wait3A_93 = tpu.memref_slice %arg4[%add3A_86] : memref<320000xi32, #tpu.memory_space<hbm>> -> memref<128xi32, #tpu.memory_space<hbm>>
          %dma_wait3A_94 = tpu.memref_slice %arg4[%add3A_86] : memref<320000xi32, #tpu.memory_space<hbm>> -> memref<128xi32, #tpu.memory_space<hbm>>
          tpu.wait_dma2 semaphore(%run_scoped3A_90 : memref<!tpu.dma_semaphore, #tpu.memory_space<semaphore_mem>>) src(%dma_wait3A_94 : memref<128xi32, #tpu.memory_space<hbm>>) dst(%arg10 : memref<128xi32, #tpu.memory_space<vmem>>)
          tpu.yield
        }) : () -> ()
        %dma_start3A_87 = arith.constant 0 : i32
        %dma_start3A_88 = arith.constant 0 : i32
        %dma_start3A_89 = tpu.memref_slice %arg2[%dma_start3A_87, %dma_start3A_88] : memref<10240x128xf32, #tpu.memory_space<hbm>> -> memref<10240x128xf32, #tpu.memory_space<hbm>>
        tpu.enqueue_indirect_dma source(%dma_start3A_89 : memref<10240x128xf32, #tpu.memory_space<hbm>>) target(%arg14 : memref<128x128xf32, #tpu.memory_space<vmem>>) offsets(%arg8 : memref<128xi32, #tpu.memory_space<vmem>>) semaphore(%arg17 : memref<!tpu.dma_semaphore, #tpu.memory_space<semaphore_mem>>)
      } else {
      }
    }
    %scan3A_25 = arith.constant 39 : i32
    %mul3A_26 = arith.constant 10000 : i32
    %mul3A_27 = arith.muli %add3A, %mul3A_26 : i32
    %add3A_28 = arith.constant 9984 : i32
    %add3A_29 = arith.addi %mul3A_27, %add3A_28 : i32
    "tpu.region"() ({
      %run_scoped3A_50 = tpu.sem_alloc : memref<!tpu.dma_semaphore, #tpu.memory_space<semaphore_mem>>
      %dma_start3A_51 = tpu.memref_slice %arg3[%add3A_29] : memref<320000xi32, #tpu.memory_space<hbm>> -> memref<16xi32, #tpu.memory_space<hbm>>
      %dma_start3A_52 = tpu.memref_slice %arg3[%add3A_29] : memref<320000xi32, #tpu.memory_space<hbm>> -> memref<16xi32, #tpu.memory_space<hbm>>
      tpu.enqueue_dma source(%dma_start3A_52 : memref<16xi32, #tpu.memory_space<hbm>>) target(%arg11 : memref<16xi32, #tpu.memory_space<vmem>>) target_semaphore(%run_scoped3A_50 : memref<!tpu.dma_semaphore, #tpu.memory_space<semaphore_mem>>)
      %dma_wait3A_53 = tpu.memref_slice %arg3[%add3A_29] : memref<320000xi32, #tpu.memory_space<hbm>> -> memref<16xi32, #tpu.memory_space<hbm>>
      %dma_wait3A_54 = tpu.memref_slice %arg3[%add3A_29] : memref<320000xi32, #tpu.memory_space<hbm>> -> memref<16xi32, #tpu.memory_space<hbm>>
      tpu.wait_dma2 semaphore(%run_scoped3A_50 : memref<!tpu.dma_semaphore, #tpu.memory_space<semaphore_mem>>) src(%dma_wait3A_54 : memref<16xi32, #tpu.memory_space<hbm>>) dst(%arg11 : memref<16xi32, #tpu.memory_space<vmem>>)
      tpu.yield
    }) : () -> ()
    "tpu.region"() ({
      %run_scoped3A_50 = tpu.sem_alloc : memref<!tpu.dma_semaphore, #tpu.memory_space<semaphore_mem>>
      %dma_start3A_51 = tpu.memref_slice %arg4[%add3A_29] : memref<320000xi32, #tpu.memory_space<hbm>> -> memref<16xi32, #tpu.memory_space<hbm>>
      %dma_start3A_52 = tpu.memref_slice %arg4[%add3A_29] : memref<320000xi32, #tpu.memory_space<hbm>> -> memref<16xi32, #tpu.memory_space<hbm>>
      tpu.enqueue_dma source(%dma_start3A_52 : memref<16xi32, #tpu.memory_space<hbm>>) target(%arg12 : memref<16xi32, #tpu.memory_space<vmem>>) target_semaphore(%run_scoped3A_50 : memref<!tpu.dma_semaphore, #tpu.memory_space<semaphore_mem>>)
      %dma_wait3A_53 = tpu.memref_slice %arg4[%add3A_29] : memref<320000xi32, #tpu.memory_space<hbm>> -> memref<16xi32, #tpu.memory_space<hbm>>
      %dma_wait3A_54 = tpu.memref_slice %arg4[%add3A_29] : memref<320000xi32, #tpu.memory_space<hbm>> -> memref<16xi32, #tpu.memory_space<hbm>>
      tpu.wait_dma2 semaphore(%run_scoped3A_50 : memref<!tpu.dma_semaphore, #tpu.memory_space<semaphore_mem>>) src(%dma_wait3A_54 : memref<16xi32, #tpu.memory_space<hbm>>) dst(%arg12 : memref<16xi32, #tpu.memory_space<vmem>>)
      tpu.yield
    }) : () -> ()
    %dma_start3A_30 = arith.constant 0 : i32
    %dma_start3A_31 = arith.constant 0 : i32
    %dma_start3A_32 = tpu.memref_slice %arg13[%dma_start3A_30, %dma_start3A_31] : memref<128x128xf32, #tpu.memory_space<vmem>> -> memref<16x128xf32, #tpu.memory_space<vmem>>
    %dma_start3A_33 = arith.constant 0 : i32
    %dma_start3A_34 = arith.constant 0 : i32
    %dma_start3A_35 = tpu.memref_slice %arg2[%dma_start3A_33, %dma_start3A_34] : memref<10240x128xf32, #tpu.memory_space<hbm>> -> memref<10240x128xf32, #tpu.memory_space<hbm>>
    tpu.enqueue_indirect_dma source(%dma_start3A_35 : memref<10240x128xf32, #tpu.memory_space<hbm>>) target(%dma_start3A_32 : memref<16x128xf32, #tpu.memory_space<vmem>>) offsets(%arg11 : memref<16xi32, #tpu.memory_space<vmem>>) semaphore(%arg16 : memref<!tpu.dma_semaphore, #tpu.memory_space<semaphore_mem>>)
    %dma_wait3A = arith.constant 0 : i32
    %dma_wait3A_36 = arith.constant 0 : i32
    %dma_wait3A_37 = tpu.memref_slice %arg13[%dma_wait3A, %dma_wait3A_36] : memref<128x128xf32, #tpu.memory_space<vmem>> -> memref<16x128xf32, #tpu.memory_space<vmem>>
    %dma_wait3A_38 = arith.constant 0 : i32
    %dma_wait3A_39 = arith.constant 0 : i32
    %dma_wait3A_40 = tpu.memref_slice %arg2[%dma_wait3A_38, %dma_wait3A_39] : memref<10240x128xf32, #tpu.memory_space<hbm>> -> memref<10240x128xf32, #tpu.memory_space<hbm>>
    tpu.wait_indirect_dma semaphore(%arg16 : memref<!tpu.dma_semaphore, #tpu.memory_space<semaphore_mem>>) src(%dma_wait3A_40 : memref<10240x128xf32, #tpu.memory_space<hbm>>) dst(%dma_wait3A_37 : memref<16x128xf32, #tpu.memory_space<vmem>>)
    %run_scoped3A = arith.constant 0 : i32
    "tpu.region"() ({
      %run_scoped3A_50 = tpu.sem_alloc : memref<!tpu.dma_semaphore, #tpu.memory_space<semaphore_mem>>
      %dma_start3A_51 = arith.constant 0 : i32
      %dma_start3A_52 = tpu.memref_slice %arg13[%run_scoped3A, %dma_start3A_51] : memref<128x128xf32, #tpu.memory_space<vmem>> -> memref<16x128xf32, #tpu.memory_space<vmem>>
      %dma_start3A_53 = arith.constant 0 : i32
      %dma_start3A_54 = arith.constant 0 : i32
      %dma_start3A_55 = tpu.memref_slice %arg15[%dma_start3A_53, %dma_start3A_54] : memref<10000x128xf32, #tpu.memory_space<vmem_shared>> -> memref<10000x128xf32, #tpu.memory_space<vmem_shared>>
      tpu.enqueue_indirect_dma source(%dma_start3A_52 : memref<16x128xf32, #tpu.memory_space<vmem>>) target(%dma_start3A_55 : memref<10000x128xf32, #tpu.memory_space<vmem_shared>>) offsets(%arg12 : memref<16xi32, #tpu.memory_space<vmem>>) semaphore(%run_scoped3A_50 : memref<!tpu.dma_semaphore, #tpu.memory_space<semaphore_mem>>) {add = true}
      %dma_wait3A_56 = arith.constant 0 : i32
      %dma_wait3A_57 = tpu.memref_slice %arg13[%run_scoped3A, %dma_wait3A_56] : memref<128x128xf32, #tpu.memory_space<vmem>> -> memref<16x128xf32, #tpu.memory_space<vmem>>
      %dma_wait3A_58 = arith.constant 0 : i32
      %dma_wait3A_59 = arith.constant 0 : i32
      %dma_wait3A_60 = tpu.memref_slice %arg15[%dma_wait3A_58, %dma_wait3A_59] : memref<10000x128xf32, #tpu.memory_space<vmem_shared>> -> memref<10000x128xf32, #tpu.memory_space<vmem_shared>>
      tpu.wait_indirect_dma semaphore(%run_scoped3A_50 : memref<!tpu.dma_semaphore, #tpu.memory_space<semaphore_mem>>) src(%dma_wait3A_57 : memref<16x128xf32, #tpu.memory_space<vmem>>) dst(%dma_wait3A_60 : memref<10000x128xf32, #tpu.memory_space<vmem_shared>>)
      tpu.yield
    }) : () -> ()
    %barrier3A_41 = arith.constant 0 : index
    tpu.barrier barrier_id(%barrier3A_41)
    %mul3A_42 = arith.constant 10000 : i32
    %mul3A_43 = arith.muli %arg0, %mul3A_42 : i32
    %add3A_44 = arith.addi %mul3A_43, %mul3A_2 : i32
    "tpu.region"() ({
      %run_scoped3A_50 = tpu.sem_alloc : memref<!tpu.dma_semaphore, #tpu.memory_space<semaphore_mem>>
      %dma_start3A_51 = arith.constant 0 : i32
      %dma_start3A_52 = tpu.memref_slice %arg6[%add3A_44, %dma_start3A_51] : memref<20000x128xf32, #tpu.memory_space<hbm>> -> memref<624x128xf32, #tpu.memory_space<hbm>>
      %dma_start3A_53 = arith.constant 0 : i32
      %dma_start3A_54 = tpu.memref_slice %arg15[%mul3A_2, %dma_start3A_53] : memref<10000x128xf32, #tpu.memory_space<vmem_shared>> -> memref<624x128xf32, #tpu.memory_space<vmem_shared>>
      tpu.enqueue_dma source(%dma_start3A_54 : memref<624x128xf32, #tpu.memory_space<vmem_shared>>) target(%dma_start3A_52 : memref<624x128xf32, #tpu.memory_space<hbm>>) target_semaphore(%run_scoped3A_50 : memref<!tpu.dma_semaphore, #tpu.memory_space<semaphore_mem>>)
      %dma_wait3A_55 = arith.constant 0 : i32
      %dma_wait3A_56 = tpu.memref_slice %arg6[%add3A_44, %dma_wait3A_55] : memref<20000x128xf32, #tpu.memory_space<hbm>> -> memref<624x128xf32, #tpu.memory_space<hbm>>
      %dma_wait3A_57 = arith.constant 0 : i32
      %dma_wait3A_58 = tpu.memref_slice %arg15[%mul3A_2, %dma_wait3A_57] : memref<10000x128xf32, #tpu.memory_space<vmem_shared>> -> memref<624x128xf32, #tpu.memory_space<vmem_shared>>
      tpu.wait_dma2 semaphore(%run_scoped3A_50 : memref<!tpu.dma_semaphore, #tpu.memory_space<semaphore_mem>>) src(%dma_wait3A_58 : memref<624x128xf32, #tpu.memory_space<vmem_shared>>) dst(%dma_wait3A_56 : memref<624x128xf32, #tpu.memory_space<hbm>>)
      tpu.yield
    }) : () -> ()
    %eq3A_45 = arith.constant 15 : i32
    %eq3A_46 = arith.cmpi eq, %arg1, %eq3A_45 : i32
    %convert_element_type3A_47 = arith.extui %eq3A_46 : i1 to i32
    %cond3A_48 = arith.constant 0 : i32
    %cond3A_49 = arith.cmpi ne, %convert_element_type3A_47, %cond3A_48 : i32
    scf.if %cond3A_49 {
      %add3A_50 = arith.constant 9984 : i32
      %add3A_51 = arith.addi %mul3A_43, %add3A_50 : i32
      "tpu.region"() ({
        %run_scoped3A_52 = tpu.sem_alloc : memref<!tpu.dma_semaphore, #tpu.memory_space<semaphore_mem>>
        %dma_start3A_53 = arith.constant 0 : i32
        %dma_start3A_54 = tpu.memref_slice %arg6[%add3A_51, %dma_start3A_53] : memref<20000x128xf32, #tpu.memory_space<hbm>> -> memref<16x128xf32, #tpu.memory_space<hbm>>
        %dma_start3A_55 = arith.constant 9984 : i32
        %dma_start3A_56 = arith.constant 0 : i32
        %dma_start3A_57 = tpu.memref_slice %arg15[%dma_start3A_55, %dma_start3A_56] : memref<10000x128xf32, #tpu.memory_space<vmem_shared>> -> memref<16x128xf32, #tpu.memory_space<vmem_shared>>
        tpu.enqueue_dma source(%dma_start3A_57 : memref<16x128xf32, #tpu.memory_space<vmem_shared>>) target(%dma_start3A_54 : memref<16x128xf32, #tpu.memory_space<hbm>>) target_semaphore(%run_scoped3A_52 : memref<!tpu.dma_semaphore, #tpu.memory_space<semaphore_mem>>)
        %dma_wait3A_58 = arith.constant 0 : i32
        %dma_wait3A_59 = tpu.memref_slice %arg6[%add3A_51, %dma_wait3A_58] : memref<20000x128xf32, #tpu.memory_space<hbm>> -> memref<16x128xf32, #tpu.memory_space<hbm>>
        %dma_wait3A_60 = arith.constant 9984 : i32
        %dma_wait3A_61 = arith.constant 0 : i32
        %dma_wait3A_62 = tpu.memref_slice %arg15[%dma_wait3A_60, %dma_wait3A_61] : memref<10000x128xf32, #tpu.memory_space<vmem_shared>> -> memref<16x128xf32, #tpu.memory_space<vmem_shared>>
        tpu.wait_dma2 semaphore(%run_scoped3A_52 : memref<!tpu.dma_semaphore, #tpu.memory_space<semaphore_mem>>) src(%dma_wait3A_62 : memref<16x128xf32, #tpu.memory_space<vmem_shared>>) dst(%dma_wait3A_59 : memref<16x128xf32, #tpu.memory_space<hbm>>)
        tpu.yield
      }) : () -> ()
    } else {
    }
    return
  }
}

module attributes {stable_mosaic.version = 14 : i64} {
  func.func @_node_body(%arg0: i32, %arg1: i32, %arg2: memref<400x128xf32, #tpu.memory_space<vmem>>, %arg3: memref<400x128xf32, #tpu.memory_space<vmem>>, %arg4: memref<400x128xf32, #tpu.memory_space<vmem>>, %arg5: memref<384x128xf32, #tpu.memory_space<vmem>>, %arg6: memref<384x128xf32, #tpu.memory_space<vmem>>, %arg7: memref<400x1xi32, #tpu.memory_space<vmem>>, %arg8: memref<400x1xi32, #tpu.memory_space<vmem>>, %arg9: memref<1x1xi32, #tpu.memory_space<vmem>>, %arg10: memref<128x128xf32, #tpu.memory_space<vmem>>, %arg11: memref<128x128xf32, #tpu.memory_space<vmem>>, %arg12: memref<1x128xf32, #tpu.memory_space<vmem>>, %arg13: memref<1x128xf32, #tpu.memory_space<vmem>>, %arg14: memref<1x1xf32, #tpu.memory_space<vmem>>, %arg15: memref<32x128xf32, #tpu.memory_space<vmem>>, %arg16: memref<32x128xf32, #tpu.memory_space<vmem>>, %arg17: memref<10000x128xf32, #tpu.memory_space<vmem>>) attributes {dimension_semantics = [#tpu.dimension_semantics<arbitrary>, #tpu.dimension_semantics<arbitrary>], iteration_bounds = array<i64: 2, 25>, scalar_prefetch = 0 : i64, scratch_operands = 1 : i64, tpu.core_type = #tpu.core_type<tc>, window_params = [{transform_indices = @transform_0, window_bounds = array<i64: 400, 128>}, {transform_indices = @transform_1, window_bounds = array<i64: 400, 128>}, {transform_indices = @transform_2, window_bounds = array<i64: 400, 128>}, {pipeline_mode = #tpu.pipeline_mode<synchronous>, transform_indices = @transform_3, window_bounds = array<i64: 384, 128>}, {pipeline_mode = #tpu.pipeline_mode<synchronous>, transform_indices = @transform_4, window_bounds = array<i64: 384, 128>}, {transform_indices = @transform_5, window_bounds = array<i64: 400, 1>}, {transform_indices = @transform_6, window_bounds = array<i64: 400, 1>}, {pipeline_mode = #tpu.pipeline_mode<synchronous>, transform_indices = @transform_7, window_bounds = array<i64: 1, 1>}, {pipeline_mode = #tpu.pipeline_mode<synchronous>, transform_indices = @transform_8, window_bounds = array<i64: 128, 128>}, {pipeline_mode = #tpu.pipeline_mode<synchronous>, transform_indices = @transform_9, window_bounds = array<i64: 128, 128>}, {pipeline_mode = #tpu.pipeline_mode<synchronous>, transform_indices = @transform_10, window_bounds = array<i64: 1, 128>}, {pipeline_mode = #tpu.pipeline_mode<synchronous>, transform_indices = @transform_11, window_bounds = array<i64: 1, 128>}, {pipeline_mode = #tpu.pipeline_mode<synchronous>, transform_indices = @transform_12, window_bounds = array<i64: 1, 1>}, {pipeline_mode = #tpu.pipeline_mode<synchronous>, transform_indices = @transform_13, window_bounds = array<i64: 32, 128>}, {pipeline_mode = #tpu.pipeline_mode<synchronous>, transform_indices = @transform_14, window_bounds = array<i64: 32, 128>}]} {
    %get3A = arith.constant 0 : index
    %get3A_0 = arith.constant 0 : index
    %get3A_1 = vector.load %arg7[%get3A, %get3A_0] : memref<400x1xi32, #tpu.memory_space<vmem>>, vector<400x1xi32>
    %iota3A = tpu.iota {dimensions = array<i32: 1>} : vector<400x32xi32>
    %eq3A = arith.constant 0 : i32
    %eq3A_2 = arith.cmpi eq, %arg0, %eq3A : i32
    %convert_element_type3A = arith.extui %eq3A_2 : i1 to i32
    %cond3A = arith.constant 0 : i32
    %cond3A_3 = arith.cmpi ne, %convert_element_type3A, %cond3A : i32
    scf.if %cond3A_3 {
      %get3A_9 = arith.constant 0 : index
      %get3A_10 = arith.constant 0 : index
      %get3A_11 = vector.load %arg2[%get3A_9, %get3A_10] : memref<400x128xf32, #tpu.memory_space<vmem>>, vector<400x128xf32>
      %get3A_12 = arith.constant 0 : index
      %get3A_13 = arith.constant 0 : index
      %get3A_14 = vector.load %arg3[%get3A_12, %get3A_13] : memref<400x128xf32, #tpu.memory_space<vmem>>, vector<400x128xf32>
      %add3A = arith.addf %get3A_11, %get3A_14 : vector<400x128xf32>
      %get3A_15 = arith.constant 0 : index
      %get3A_16 = arith.constant 0 : index
      %get3A_17 = vector.load %arg4[%get3A_15, %get3A_16] : memref<400x128xf32, #tpu.memory_space<vmem>>, vector<400x128xf32>
      %get3A_18 = arith.constant 0 : index
      %get3A_19 = arith.constant 0 : index
      %get3A_20 = vector.load %arg5[%get3A_18, %get3A_19] : memref<384x128xf32, #tpu.memory_space<vmem>>, vector<384x128xf32>
      %dot_general3A = arith.constant dense<0.000000e+00> : vector<400x384xf32>
      %dot_general3A_21 = tpu.matmul %add3A, %get3A_20, %dot_general3A {dimension_numbers = #tpu.dot_dimension_numbers<[1], [1], [0], [0], [0, 0, 1, 0], [], []>, transpose_lhs_hint = false} : vector<400x128xf32>, vector<384x128xf32>, vector<400x384xf32> -> vector<400x384xf32>
      %get3A_22 = arith.constant 0 : index
      %get3A_23 = arith.constant 0 : index
      %get3A_24 = vector.load %arg6[%get3A_22, %get3A_23] : memref<384x128xf32, #tpu.memory_space<vmem>>, vector<384x128xf32>
      %dot_general3A_25 = arith.constant dense<0.000000e+00> : vector<400x384xf32>
      %dot_general3A_26 = tpu.matmul %get3A_17, %get3A_24, %dot_general3A_25 {dimension_numbers = #tpu.dot_dimension_numbers<[1], [1], [0], [0], [0, 0, 1, 0], [], []>, transpose_lhs_hint = false} : vector<400x128xf32>, vector<384x128xf32>, vector<400x384xf32> -> vector<400x384xf32>
      %slice3A = vector.extract_strided_slice %dot_general3A_21 {offsets = [0, 0], sizes = [400, 128], strides = [1, 1]} : vector<400x384xf32> to vector<400x128xf32>
      %slice3A_27 = vector.extract_strided_slice %dot_general3A_26 {offsets = [0, 0], sizes = [400, 128], strides = [1, 1]} : vector<400x384xf32> to vector<400x128xf32>
      %add3A_28 = arith.addf %slice3A, %slice3A_27 : vector<400x128xf32>
      %logistic3A = arith.negf %add3A_28 : vector<400x128xf32>
      %logistic3A_29 = math.exp %logistic3A : vector<400x128xf32>
      %logistic3A_30 = arith.constant 1.000000e+00 : f32
      %logistic3A_31 = vector.broadcast %logistic3A_30 : f32 to vector<400x128xf32>
      %logistic3A_32 = arith.addf %logistic3A_31, %logistic3A_29 : vector<400x128xf32>
      %logistic3A_33 = arith.divf %logistic3A_31, %logistic3A_32 : vector<400x128xf32>
      %slice3A_34 = vector.extract_strided_slice %dot_general3A_21 {offsets = [0, 128], sizes = [400, 128], strides = [1, 1]} : vector<400x384xf32> to vector<400x128xf32>
      %slice3A_35 = vector.extract_strided_slice %dot_general3A_26 {offsets = [0, 128], sizes = [400, 128], strides = [1, 1]} : vector<400x384xf32> to vector<400x128xf32>
      %add3A_36 = arith.addf %slice3A_34, %slice3A_35 : vector<400x128xf32>
      %logistic3A_37 = arith.negf %add3A_36 : vector<400x128xf32>
      %logistic3A_38 = math.exp %logistic3A_37 : vector<400x128xf32>
      %logistic3A_39 = arith.constant 1.000000e+00 : f32
      %logistic3A_40 = vector.broadcast %logistic3A_39 : f32 to vector<400x128xf32>
      %logistic3A_41 = arith.addf %logistic3A_40, %logistic3A_38 : vector<400x128xf32>
      %logistic3A_42 = arith.divf %logistic3A_40, %logistic3A_41 : vector<400x128xf32>
      %slice3A_43 = vector.extract_strided_slice %dot_general3A_21 {offsets = [0, 256], sizes = [400, 128], strides = [1, 1]} : vector<400x384xf32> to vector<400x128xf32>
      %slice3A_44 = vector.extract_strided_slice %dot_general3A_26 {offsets = [0, 256], sizes = [400, 128], strides = [1, 1]} : vector<400x384xf32> to vector<400x128xf32>
      %mul3A = arith.mulf %logistic3A_33, %slice3A_44 : vector<400x128xf32>
      %add3A_45 = arith.addf %slice3A_43, %mul3A : vector<400x128xf32>
      %tanh3A = math.tanh %add3A_45 : vector<400x128xf32>
      %sub3A = arith.constant 1.000000e+00 : f32
      %sub3A_46 = vector.broadcast %sub3A : f32 to vector<400x128xf32>
      %sub3A_47 = arith.subf %sub3A_46, %logistic3A_42 : vector<400x128xf32>
      %mul3A_48 = arith.mulf %sub3A_47, %tanh3A : vector<400x128xf32>
      %mul3A_49 = arith.mulf %logistic3A_42, %get3A_17 : vector<400x128xf32>
      %add3A_50 = arith.addf %mul3A_48, %mul3A_49 : vector<400x128xf32>
      %mul3A_51 = arith.constant 400 : i32
      %mul3A_52 = arith.muli %arg1, %mul3A_51 : i32
      %swap3A = arith.index_cast %mul3A_52 : i32 to index
      %swap3A_53 = arith.constant 0 : index
      %swap3A_54 = vector.load %arg17[%swap3A, %swap3A_53] : memref<10000x128xf32, #tpu.memory_space<vmem>>, vector<400x128xf32>
      tpu.vector_store %arg17[%swap3A, %swap3A_53], %add3A_50 {strides = array<i32>} : memref<10000x128xf32, #tpu.memory_space<vmem>>, vector<400x128xf32>,
      %get3A_55 = arith.constant 0 : index
      %get3A_56 = arith.constant 0 : index
      %get3A_57 = vector.load %arg8[%get3A_55, %get3A_56] : memref<400x1xi32, #tpu.memory_space<vmem>>, vector<400x1xi32>
      %get3A_58 = arith.constant 0 : index
      %get3A_59 = arith.constant 0 : index
      %get3A_60 = vector.load %arg9[%get3A_58, %get3A_59] : memref<1x1xi32, #tpu.memory_space<vmem>>, vector<1x1xi32>
      %le3A = vector.broadcast %get3A_1 : vector<400x1xi32> to vector<400x32xi32>
      %le3A_61 = arith.cmpi sle, %le3A, %iota3A : vector<400x32xi32>
      %gt3A = vector.broadcast %get3A_57 : vector<400x1xi32> to vector<400x32xi32>
      %gt3A_62 = arith.cmpi sgt, %gt3A, %iota3A : vector<400x32xi32>
      %and3A = arith.andi %le3A_61, %gt3A_62 : vector<400x32xi1>
      %mul3A_63 = arith.constant 400 : i32
      %mul3A_64 = arith.muli %arg1, %mul3A_63 : i32
      %iota3A_65 = tpu.iota {dimensions = array<i32: 0>} : vector<400x32xi32>
      %add3A_66 = vector.broadcast %mul3A_64 : i32 to vector<400x32xi32>
      %add3A_67 = arith.addi %add3A_66, %iota3A_65 : vector<400x32xi32>
      %eq3A_68 = arith.constant 9999 : i32
      %eq3A_69 = vector.broadcast %eq3A_68 : i32 to vector<400x32xi32>
      %eq3A_70 = arith.cmpi eq, %add3A_67, %eq3A_69 : vector<400x32xi32>
      %lt3A = vector.broadcast %get3A_60 : vector<1x1xi32> to vector<400x32xi32>
      %lt3A_71 = arith.cmpi slt, %iota3A, %lt3A : vector<400x32xi32>
      %and3A_72 = arith.andi %eq3A_70, %lt3A_71 : vector<400x32xi1>
      %or3A = arith.ori %and3A, %and3A_72 : vector<400x32xi1>
      %convert_element_type3A_73 = arith.extui %or3A : vector<400x32xi1> to vector<400x32xi32>
      %convert_element_type3A_74 = arith.sitofp %convert_element_type3A_73 : vector<400x32xi32> to vector<400x32xf32>
      %dot_general3A_75 = arith.constant dense<0.000000e+00> : vector<32x128xf32>
      %dot_general3A_76 = tpu.matmul %convert_element_type3A_74, %add3A_50, %dot_general3A_75 {dimension_numbers = #tpu.dot_dimension_numbers<[0], [0], [1], [1], [0, 1, 1, 1], [], []>, transpose_lhs_hint = false} : vector<400x32xf32>, vector<400x128xf32>, vector<32x128xf32> -> vector<32x128xf32>
      %eq3A_77 = arith.constant 0 : i32
      %eq3A_78 = arith.cmpi eq, %arg1, %eq3A_77 : i32
      %convert_element_type3A_79 = arith.extui %eq3A_78 : i1 to i32
      %cond3A_80 = arith.constant 0 : i32
      %cond3A_81 = arith.cmpi ne, %convert_element_type3A_79, %cond3A_80 : i32
      scf.if %cond3A_81 {
        %broadcast_in_dim3A = arith.constant 0.000000e+00 : f32
        %broadcast_in_dim3A_89 = vector.broadcast %broadcast_in_dim3A : f32 to vector<32x128xf32>
        %swap3A_90 = arith.constant 0 : index
        %swap3A_91 = arith.constant 0 : index
        %swap3A_92 = vector.load %arg15[%swap3A_90, %swap3A_91] : memref<32x128xf32, #tpu.memory_space<vmem>>, vector<32x128xf32>
        tpu.vector_store %arg15[%swap3A_90, %swap3A_91], %broadcast_in_dim3A_89 {strides = array<i32>} : memref<32x128xf32, #tpu.memory_space<vmem>>, vector<32x128xf32>,
      } else {
      }
      %get3A_82 = arith.constant 0 : index
      %get3A_83 = arith.constant 0 : index
      %get3A_84 = vector.load %arg15[%get3A_82, %get3A_83] : memref<32x128xf32, #tpu.memory_space<vmem>>, vector<32x128xf32>
      %add3A_85 = arith.addf %get3A_84, %dot_general3A_76 : vector<32x128xf32>
      %swap3A_86 = arith.constant 0 : index
      %swap3A_87 = arith.constant 0 : index
      %swap3A_88 = vector.load %arg15[%swap3A_86, %swap3A_87] : memref<32x128xf32, #tpu.memory_space<vmem>>, vector<32x128xf32>
      tpu.vector_store %arg15[%swap3A_86, %swap3A_87], %add3A_85 {strides = array<i32>} : memref<32x128xf32, #tpu.memory_space<vmem>>, vector<32x128xf32>,
    } else {
    }
    %eq3A_4 = arith.constant 1 : i32
    %eq3A_5 = arith.cmpi eq, %arg0, %eq3A_4 : i32
    %convert_element_type3A_6 = arith.extui %eq3A_5 : i1 to i32
    %cond3A_7 = arith.constant 0 : i32
    %cond3A_8 = arith.cmpi ne, %convert_element_type3A_6, %cond3A_7 : i32
    scf.if %cond3A_8 {
      %mul3A = arith.constant 400 : i32
      %mul3A_9 = arith.muli %arg1, %mul3A : i32
      %get3A_10 = arith.index_cast %mul3A_9 : i32 to index
      %get3A_11 = arith.constant 0 : index
      %get3A_12 = vector.load %arg17[%get3A_10, %get3A_11] : memref<10000x128xf32, #tpu.memory_space<vmem>>, vector<400x128xf32>
      %eq3A_13 = vector.broadcast %get3A_1 : vector<400x1xi32> to vector<400x32xi32>
      %eq3A_14 = arith.cmpi eq, %eq3A_13, %iota3A : vector<400x32xi32>
      %convert_element_type3A_15 = arith.extui %eq3A_14 : vector<400x32xi1> to vector<400x32xi32>
      %convert_element_type3A_16 = arith.sitofp %convert_element_type3A_15 : vector<400x32xi32> to vector<400x32xf32>
      %get3A_17 = arith.constant 0 : index
      %get3A_18 = arith.constant 0 : index
      %get3A_19 = vector.load %arg15[%get3A_17, %get3A_18] : memref<32x128xf32, #tpu.memory_space<vmem>>, vector<32x128xf32>
      %dot_general3A = arith.constant dense<0.000000e+00> : vector<400x128xf32>
      %dot_general3A_20 = tpu.matmul %convert_element_type3A_16, %get3A_19, %dot_general3A {dimension_numbers = #tpu.dot_dimension_numbers<[1], [0], [0], [1], [0, 0, 1, 1], [], []>, transpose_lhs_hint = false} : vector<400x32xf32>, vector<32x128xf32>, vector<400x128xf32> -> vector<400x128xf32>
      %get3A_21 = arith.constant 0 : index
      %get3A_22 = arith.constant 0 : index
      %get3A_23 = vector.load %arg10[%get3A_21, %get3A_22] : memref<128x128xf32, #tpu.memory_space<vmem>>, vector<128x128xf32>
      %dot_general3A_24 = arith.constant dense<0.000000e+00> : vector<400x128xf32>
      %dot_general3A_25 = tpu.matmul %dot_general3A_20, %get3A_23, %dot_general3A_24 {dimension_numbers = #tpu.dot_dimension_numbers<[1], [1], [0], [0], [0, 0, 1, 0], [], []>, transpose_lhs_hint = false} : vector<400x128xf32>, vector<128x128xf32>, vector<400x128xf32> -> vector<400x128xf32>
      %get3A_26 = arith.constant 0 : index
      %get3A_27 = arith.constant 0 : index
      %get3A_28 = vector.load %arg11[%get3A_26, %get3A_27] : memref<128x128xf32, #tpu.memory_space<vmem>>, vector<128x128xf32>
      %dot_general3A_29 = arith.constant dense<0.000000e+00> : vector<400x128xf32>
      %dot_general3A_30 = tpu.matmul %get3A_12, %get3A_28, %dot_general3A_29 {dimension_numbers = #tpu.dot_dimension_numbers<[1], [1], [0], [0], [0, 0, 1, 0], [], []>, transpose_lhs_hint = false} : vector<400x128xf32>, vector<128x128xf32>, vector<400x128xf32> -> vector<400x128xf32>
      %get3A_31 = arith.constant 0 : index
      %get3A_32 = arith.constant 0 : index
      %get3A_33 = vector.load %arg12[%get3A_31, %get3A_32] : memref<1x128xf32, #tpu.memory_space<vmem>>, vector<1x128xf32>
      %add3A = vector.broadcast %get3A_33 : vector<1x128xf32> to vector<400x128xf32>
      %add3A_34 = arith.addf %dot_general3A_30, %add3A : vector<400x128xf32>
      %add3A_35 = arith.addf %dot_general3A_25, %add3A_34 : vector<400x128xf32>
      %logistic3A = arith.negf %add3A_35 : vector<400x128xf32>
      %logistic3A_36 = math.exp %logistic3A : vector<400x128xf32>
      %logistic3A_37 = arith.constant 1.000000e+00 : f32
      %logistic3A_38 = vector.broadcast %logistic3A_37 : f32 to vector<400x128xf32>
      %logistic3A_39 = arith.addf %logistic3A_38, %logistic3A_36 : vector<400x128xf32>
      %logistic3A_40 = arith.divf %logistic3A_38, %logistic3A_39 : vector<400x128xf32>
      %get3A_41 = arith.constant 0 : index
      %get3A_42 = arith.constant 0 : index
      %get3A_43 = vector.load %arg13[%get3A_41, %get3A_42] : memref<1x128xf32, #tpu.memory_space<vmem>>, vector<1x128xf32>
      %mul3A_44 = vector.broadcast %get3A_43 : vector<1x128xf32> to vector<400x128xf32>
      %mul3A_45 = arith.mulf %logistic3A_40, %mul3A_44 : vector<400x128xf32>
      %reduce_sum3A = arith.constant dense<0.000000e+00> : vector<400xf32>
      %reduce_sum3A_46 = vector.multi_reduction <add>, %mul3A_45, %reduce_sum3A [1] : vector<400x128xf32> to vector<400xf32>
      %broadcast_in_dim3A = vector.shape_cast %reduce_sum3A_46 : vector<400xf32> to vector<400x1xf32>
      %get3A_47 = arith.constant 0 : index
      %get3A_48 = arith.constant 0 : index
      %get3A_49 = vector.load %arg14[%get3A_47, %get3A_48] : memref<1x1xf32, #tpu.memory_space<vmem>>, vector<1x1xf32>
      %get3A_50 = vector.extract %get3A_49[0, 0] : f32 from vector<1x1xf32>
      %add3A_51 = vector.broadcast %get3A_50 : f32 to vector<400x1xf32>
      %add3A_52 = arith.addf %broadcast_in_dim3A, %add3A_51 : vector<400x1xf32>
      %mul3A_53 = vector.broadcast %add3A_52 : vector<400x1xf32> to vector<400x128xf32>
      %mul3A_54 = arith.mulf %mul3A_53, %get3A_12 : vector<400x128xf32>
      %dot_general3A_55 = arith.constant dense<0.000000e+00> : vector<32x128xf32>
      %dot_general3A_56 = tpu.matmul %convert_element_type3A_16, %mul3A_54, %dot_general3A_55 {dimension_numbers = #tpu.dot_dimension_numbers<[0], [0], [1], [1], [0, 1, 1, 1], [], []>, transpose_lhs_hint = false} : vector<400x32xf32>, vector<400x128xf32>, vector<32x128xf32> -> vector<32x128xf32>
      %eq3A_57 = arith.constant 0 : i32
      %eq3A_58 = arith.cmpi eq, %arg1, %eq3A_57 : i32
      %convert_element_type3A_59 = arith.extui %eq3A_58 : i1 to i32
      %cond3A_60 = arith.constant 0 : i32
      %cond3A_61 = arith.cmpi ne, %convert_element_type3A_59, %cond3A_60 : i32
      scf.if %cond3A_61 {
        %broadcast_in_dim3A_68 = arith.constant 0.000000e+00 : f32
        %broadcast_in_dim3A_69 = vector.broadcast %broadcast_in_dim3A_68 : f32 to vector<32x128xf32>
        %swap3A_70 = arith.constant 0 : index
        %swap3A_71 = arith.constant 0 : index
        %swap3A_72 = vector.load %arg16[%swap3A_70, %swap3A_71] : memref<32x128xf32, #tpu.memory_space<vmem>>, vector<32x128xf32>
        tpu.vector_store %arg16[%swap3A_70, %swap3A_71], %broadcast_in_dim3A_69 {strides = array<i32>} : memref<32x128xf32, #tpu.memory_space<vmem>>, vector<32x128xf32>,
      } else {
      }
      %get3A_62 = arith.constant 0 : index
      %get3A_63 = arith.constant 0 : index
      %get3A_64 = vector.load %arg16[%get3A_62, %get3A_63] : memref<32x128xf32, #tpu.memory_space<vmem>>, vector<32x128xf32>
      %add3A_65 = arith.addf %get3A_64, %dot_general3A_56 : vector<32x128xf32>
      %swap3A = arith.constant 0 : index
      %swap3A_66 = arith.constant 0 : index
      %swap3A_67 = vector.load %arg16[%swap3A, %swap3A_66] : memref<32x128xf32, #tpu.memory_space<vmem>>, vector<32x128xf32>
      tpu.vector_store %arg16[%swap3A, %swap3A_66], %add3A_65 {strides = array<i32>} : memref<32x128xf32, #tpu.memory_space<vmem>>, vector<32x128xf32>,
    } else {
    }
    return
  }
  func.func @transform_0(%arg0: i32, %arg1: i32) -> (i32, i32) {
    %sub3A = arith.constant 1 : i32
    %sub3A_0 = arith.subi %sub3A, %arg0 : i32
    %mul3A = arith.muli %arg1, %sub3A_0 : i32
    %c0_i32 = arith.constant 0 : i32
    %c0_i32_1 = arith.constant 0 : i32
    return %mul3A, %c0_i32 : i32, i32
  }
  func.func @transform_1(%arg0: i32, %arg1: i32) -> (i32, i32) {
    %sub3A = arith.constant 1 : i32
    %sub3A_0 = arith.subi %sub3A, %arg0 : i32
    %mul3A = arith.muli %arg1, %sub3A_0 : i32
    %add3A = arith.constant 25 : i32
    %add3A_1 = arith.addi %mul3A, %add3A : i32
    %c0_i32 = arith.constant 0 : i32
    %c0_i32_2 = arith.constant 0 : i32
    return %add3A_1, %c0_i32 : i32, i32
  }
  func.func @transform_2(%arg0: i32, %arg1: i32) -> (i32, i32) {
    %sub3A = arith.constant 1 : i32
    %sub3A_0 = arith.subi %sub3A, %arg0 : i32
    %mul3A = arith.muli %arg1, %sub3A_0 : i32
    %c0_i32 = arith.constant 0 : i32
    %c0_i32_1 = arith.constant 0 : i32
    return %mul3A, %c0_i32 : i32, i32
  }
  func.func @transform_3(%arg0: i32, %arg1: i32) -> (i32, i32) {
    %c0_i32 = arith.constant 0 : i32
    %c0_i32_0 = arith.constant 0 : i32
    %c0_i32_1 = arith.constant 0 : i32
    return %c0_i32, %c0_i32_0 : i32, i32
  }
  func.func @transform_4(%arg0: i32, %arg1: i32) -> (i32, i32) {
    %c0_i32 = arith.constant 0 : i32
    %c0_i32_0 = arith.constant 0 : i32
    %c0_i32_1 = arith.constant 0 : i32
    return %c0_i32, %c0_i32_0 : i32, i32
  }
  func.func @transform_5(%arg0: i32, %arg1: i32) -> (i32, i32) {
    %c0_i32 = arith.constant 0 : i32
    %c0_i32_0 = arith.constant 0 : i32
    return %arg1, %c0_i32 : i32, i32
  }
  func.func @transform_6(%arg0: i32, %arg1: i32) -> (i32, i32) {
    %sub3A = arith.constant 1 : i32
    %sub3A_0 = arith.subi %sub3A, %arg0 : i32
    %mul3A = arith.muli %arg1, %sub3A_0 : i32
    %c0_i32 = arith.constant 0 : i32
    %c0_i32_1 = arith.constant 0 : i32
    return %mul3A, %c0_i32 : i32, i32
  }
  func.func @transform_7(%arg0: i32, %arg1: i32) -> (i32, i32) {
    %c0_i32 = arith.constant 0 : i32
    %c0_i32_0 = arith.constant 0 : i32
    %c0_i32_1 = arith.constant 0 : i32
    return %c0_i32, %c0_i32_0 : i32, i32
  }
  func.func @transform_8(%arg0: i32, %arg1: i32) -> (i32, i32) {
    %c0_i32 = arith.constant 0 : i32
    %c0_i32_0 = arith.constant 0 : i32
    %c0_i32_1 = arith.constant 0 : i32
    return %c0_i32, %c0_i32_0 : i32, i32
  }
  func.func @transform_9(%arg0: i32, %arg1: i32) -> (i32, i32) {
    %c0_i32 = arith.constant 0 : i32
    %c0_i32_0 = arith.constant 0 : i32
    %c0_i32_1 = arith.constant 0 : i32
    return %c0_i32, %c0_i32_0 : i32, i32
  }
  func.func @transform_10(%arg0: i32, %arg1: i32) -> (i32, i32) {
    %c0_i32 = arith.constant 0 : i32
    %c0_i32_0 = arith.constant 0 : i32
    %c0_i32_1 = arith.constant 0 : i32
    return %c0_i32, %c0_i32_0 : i32, i32
  }
  func.func @transform_11(%arg0: i32, %arg1: i32) -> (i32, i32) {
    %c0_i32 = arith.constant 0 : i32
    %c0_i32_0 = arith.constant 0 : i32
    %c0_i32_1 = arith.constant 0 : i32
    return %c0_i32, %c0_i32_0 : i32, i32
  }
  func.func @transform_12(%arg0: i32, %arg1: i32) -> (i32, i32) {
    %c0_i32 = arith.constant 0 : i32
    %c0_i32_0 = arith.constant 0 : i32
    %c0_i32_1 = arith.constant 0 : i32
    return %c0_i32, %c0_i32_0 : i32, i32
  }
  func.func @transform_13(%arg0: i32, %arg1: i32) -> (i32, i32) {
    %c0_i32 = arith.constant 0 : i32
    %c0_i32_0 = arith.constant 0 : i32
    %c0_i32_1 = arith.constant 0 : i32
    return %c0_i32, %c0_i32_0 : i32, i32
  }
  func.func @transform_14(%arg0: i32, %arg1: i32) -> (i32, i32) {
    %c0_i32 = arith.constant 0 : i32
    %c0_i32_0 = arith.constant 0 : i32
    %c0_i32_1 = arith.constant 0 : i32
    return %c0_i32, %c0_i32_0 : i32, i32
  }
}

module attributes {stable_mosaic.version = 14 : i64} {
  func.func @_vocab_body(%arg0: i32, %arg1: memref<32x128xf32, #tpu.memory_space<vmem>>, %arg2: memref<32x128xf32, #tpu.memory_space<vmem>>, %arg3: memref<128x256xf32, #tpu.memory_space<vmem>>, %arg4: memref<128x128xf32, #tpu.memory_space<vmem>>, %arg5: memref<128x128xf32, #tpu.memory_space<vmem>>, %arg6: memref<128x128xf32, #tpu.memory_space<vmem>>, %arg7: memref<2048x128xf32, #tpu.memory_space<vmem>>, %arg8: memref<32x2048xf32, #tpu.memory_space<vmem>>, %arg9: memref<32x2048xf32, #tpu.memory_space<vmem>>, %arg10: memref<32x2048xf32, #tpu.memory_space<vmem>>, %arg11: memref<96x128xf32, #tpu.memory_space<vmem>>) attributes {dimension_semantics = [#tpu.dimension_semantics<arbitrary>], iteration_bounds = array<i64: 49>, scalar_prefetch = 0 : i64, scratch_operands = 1 : i64, tpu.core_type = #tpu.core_type<tc>, window_params = [{pipeline_mode = #tpu.pipeline_mode<synchronous>, transform_indices = @transform_0, window_bounds = array<i64: 32, 128>}, {pipeline_mode = #tpu.pipeline_mode<synchronous>, transform_indices = @transform_1, window_bounds = array<i64: 32, 128>}, {pipeline_mode = #tpu.pipeline_mode<synchronous>, transform_indices = @transform_2, window_bounds = array<i64: 128, 256>}, {pipeline_mode = #tpu.pipeline_mode<synchronous>, transform_indices = @transform_3, window_bounds = array<i64: 128, 128>}, {pipeline_mode = #tpu.pipeline_mode<synchronous>, transform_indices = @transform_4, window_bounds = array<i64: 128, 128>}, {pipeline_mode = #tpu.pipeline_mode<synchronous>, transform_indices = @transform_5, window_bounds = array<i64: 128, 128>}, {transform_indices = @transform_6, window_bounds = array<i64: 2048, 128>}, {transform_indices = @transform_7, window_bounds = array<i64: 32, 2048>}, {transform_indices = @transform_8, window_bounds = array<i64: 32, 2048>}, {transform_indices = @transform_9, window_bounds = array<i64: 32, 2048>}]} {
    %eq3A = arith.constant 0 : i32
    %eq3A_0 = arith.cmpi eq, %arg0, %eq3A : i32
    %convert_element_type3A = arith.extui %eq3A_0 : i1 to i32
    %cond3A = arith.constant 0 : i32
    %cond3A_1 = arith.cmpi ne, %convert_element_type3A, %cond3A : i32
    scf.if %cond3A_1 {
      %get3A_18 = arith.constant 0 : index
      %get3A_19 = arith.constant 0 : index
      %get3A_20 = vector.load %arg1[%get3A_18, %get3A_19] : memref<32x128xf32, #tpu.memory_space<vmem>>, vector<32x128xf32>
      %get3A_21 = arith.constant 0 : index
      %get3A_22 = arith.constant 0 : index
      %get3A_23 = vector.load %arg3[%get3A_21, %get3A_22] : memref<128x256xf32, #tpu.memory_space<vmem>>, vector<128x128xf32>
      %dot_general3A_24 = arith.constant dense<0.000000e+00> : vector<32x128xf32>
      %dot_general3A_25 = tpu.matmul %get3A_20, %get3A_23, %dot_general3A_24 {dimension_numbers = #tpu.dot_dimension_numbers<[1], [1], [0], [0], [0, 0, 1, 0], [], []>, transpose_lhs_hint = false} : vector<32x128xf32>, vector<128x128xf32>, vector<32x128xf32> -> vector<32x128xf32>
      %get3A_26 = arith.constant 0 : index
      %get3A_27 = arith.constant 0 : index
      %get3A_28 = vector.load %arg2[%get3A_26, %get3A_27] : memref<32x128xf32, #tpu.memory_space<vmem>>, vector<32x128xf32>
      %get3A_29 = arith.constant 0 : index
      %get3A_30 = arith.constant 128 : index
      %get3A_31 = vector.load %arg3[%get3A_29, %get3A_30] : memref<128x256xf32, #tpu.memory_space<vmem>>, vector<128x128xf32>
      %dot_general3A_32 = arith.constant dense<0.000000e+00> : vector<32x128xf32>
      %dot_general3A_33 = tpu.matmul %get3A_28, %get3A_31, %dot_general3A_32 {dimension_numbers = #tpu.dot_dimension_numbers<[1], [1], [0], [0], [0, 0, 1, 0], [], []>, transpose_lhs_hint = false} : vector<32x128xf32>, vector<128x128xf32>, vector<32x128xf32> -> vector<32x128xf32>
      %add3A = arith.addf %dot_general3A_25, %dot_general3A_33 : vector<32x128xf32>
      %logistic3A = arith.negf %add3A : vector<32x128xf32>
      %logistic3A_34 = math.exp %logistic3A : vector<32x128xf32>
      %logistic3A_35 = arith.constant 1.000000e+00 : f32
      %logistic3A_36 = vector.broadcast %logistic3A_35 : f32 to vector<32x128xf32>
      %logistic3A_37 = arith.addf %logistic3A_36, %logistic3A_34 : vector<32x128xf32>
      %logistic3A_38 = arith.divf %logistic3A_36, %logistic3A_37 : vector<32x128xf32>
      %get3A_39 = arith.constant 0 : index
      %get3A_40 = arith.constant 0 : index
      %get3A_41 = vector.load %arg4[%get3A_39, %get3A_40] : memref<128x128xf32, #tpu.memory_space<vmem>>, vector<128x128xf32>
      %dot_general3A_42 = arith.constant dense<0.000000e+00> : vector<32x128xf32>
      %dot_general3A_43 = tpu.matmul %logistic3A_38, %get3A_41, %dot_general3A_42 {dimension_numbers = #tpu.dot_dimension_numbers<[1], [1], [0], [0], [0, 0, 1, 0], [], []>, transpose_lhs_hint = false} : vector<32x128xf32>, vector<128x128xf32>, vector<32x128xf32> -> vector<32x128xf32>
      %swap3A_44 = arith.constant 0 : index
      %swap3A_45 = arith.constant 0 : index
      %swap3A_46 = vector.load %arg11[%swap3A_44, %swap3A_45] : memref<96x128xf32, #tpu.memory_space<vmem>>, vector<32x128xf32>
      tpu.vector_store %arg11[%swap3A_44, %swap3A_45], %dot_general3A_43 {strides = array<i32>} : memref<96x128xf32, #tpu.memory_space<vmem>>, vector<32x128xf32>,
      %get3A_47 = arith.constant 0 : index
      %get3A_48 = arith.constant 0 : index
      %get3A_49 = vector.load %arg5[%get3A_47, %get3A_48] : memref<128x128xf32, #tpu.memory_space<vmem>>, vector<128x128xf32>
      %dot_general3A_50 = arith.constant dense<0.000000e+00> : vector<32x128xf32>
      %dot_general3A_51 = tpu.matmul %logistic3A_38, %get3A_49, %dot_general3A_50 {dimension_numbers = #tpu.dot_dimension_numbers<[1], [1], [0], [0], [0, 0, 1, 0], [], []>, transpose_lhs_hint = false} : vector<32x128xf32>, vector<128x128xf32>, vector<32x128xf32> -> vector<32x128xf32>
      %swap3A_52 = arith.constant 32 : index
      %swap3A_53 = arith.constant 0 : index
      %swap3A_54 = vector.load %arg11[%swap3A_52, %swap3A_53] : memref<96x128xf32, #tpu.memory_space<vmem>>, vector<32x128xf32>
      tpu.vector_store %arg11[%swap3A_52, %swap3A_53], %dot_general3A_51 {strides = array<i32>} : memref<96x128xf32, #tpu.memory_space<vmem>>, vector<32x128xf32>,
      %get3A_55 = arith.constant 0 : index
      %get3A_56 = arith.constant 0 : index
      %get3A_57 = vector.load %arg6[%get3A_55, %get3A_56] : memref<128x128xf32, #tpu.memory_space<vmem>>, vector<128x128xf32>
      %dot_general3A_58 = arith.constant dense<0.000000e+00> : vector<32x128xf32>
      %dot_general3A_59 = tpu.matmul %logistic3A_38, %get3A_57, %dot_general3A_58 {dimension_numbers = #tpu.dot_dimension_numbers<[1], [1], [0], [0], [0, 0, 1, 0], [], []>, transpose_lhs_hint = false} : vector<32x128xf32>, vector<128x128xf32>, vector<32x128xf32> -> vector<32x128xf32>
      %swap3A_60 = arith.constant 64 : index
      %swap3A_61 = arith.constant 0 : index
      %swap3A_62 = vector.load %arg11[%swap3A_60, %swap3A_61] : memref<96x128xf32, #tpu.memory_space<vmem>>, vector<32x128xf32>
      tpu.vector_store %arg11[%swap3A_60, %swap3A_61], %dot_general3A_59 {strides = array<i32>} : memref<96x128xf32, #tpu.memory_space<vmem>>, vector<32x128xf32>,
    } else {
    }
    %get3A = arith.constant 0 : index
    %get3A_2 = arith.constant 0 : index
    %get3A_3 = vector.load %arg11[%get3A, %get3A_2] : memref<96x128xf32, #tpu.memory_space<vmem>>, vector<96x128xf32>
    %get3A_4 = arith.constant 0 : index
    %get3A_5 = arith.constant 0 : index
    %get3A_6 = vector.load %arg7[%get3A_4, %get3A_5] : memref<2048x128xf32, #tpu.memory_space<vmem>>, vector<2048x128xf32>
    %dot_general3A = arith.constant dense<0.000000e+00> : vector<96x2048xf32>
    %dot_general3A_7 = tpu.matmul %get3A_3, %get3A_6, %dot_general3A {dimension_numbers = #tpu.dot_dimension_numbers<[1], [1], [0], [0], [0, 0, 1, 0], [], []>, transpose_lhs_hint = false} : vector<96x128xf32>, vector<2048x128xf32>, vector<96x2048xf32> -> vector<96x2048xf32>
    %slice3A = vector.extract_strided_slice %dot_general3A_7 {offsets = [0, 0], sizes = [32, 2048], strides = [1, 1]} : vector<96x2048xf32> to vector<32x2048xf32>
    %swap3A = arith.constant 0 : index
    %swap3A_8 = arith.constant 0 : index
    %swap3A_9 = vector.load %arg8[%swap3A, %swap3A_8] : memref<32x2048xf32, #tpu.memory_space<vmem>>, vector<32x2048xf32>
    tpu.vector_store %arg8[%swap3A, %swap3A_8], %slice3A {strides = array<i32>} : memref<32x2048xf32, #tpu.memory_space<vmem>>, vector<32x2048xf32>,
    %slice3A_10 = vector.extract_strided_slice %dot_general3A_7 {offsets = [32, 0], sizes = [32, 2048], strides = [1, 1]} : vector<96x2048xf32> to vector<32x2048xf32>
    %swap3A_11 = arith.constant 0 : index
    %swap3A_12 = arith.constant 0 : index
    %swap3A_13 = vector.load %arg9[%swap3A_11, %swap3A_12] : memref<32x2048xf32, #tpu.memory_space<vmem>>, vector<32x2048xf32>
    tpu.vector_store %arg9[%swap3A_11, %swap3A_12], %slice3A_10 {strides = array<i32>} : memref<32x2048xf32, #tpu.memory_space<vmem>>, vector<32x2048xf32>,
    %slice3A_14 = vector.extract_strided_slice %dot_general3A_7 {offsets = [64, 0], sizes = [32, 2048], strides = [1, 1]} : vector<96x2048xf32> to vector<32x2048xf32>
    %swap3A_15 = arith.constant 0 : index
    %swap3A_16 = arith.constant 0 : index
    %swap3A_17 = vector.load %arg10[%swap3A_15, %swap3A_16] : memref<32x2048xf32, #tpu.memory_space<vmem>>, vector<32x2048xf32>
    tpu.vector_store %arg10[%swap3A_15, %swap3A_16], %slice3A_14 {strides = array<i32>} : memref<32x2048xf32, #tpu.memory_space<vmem>>, vector<32x2048xf32>,
    return
  }
  func.func @transform_0(%arg0: i32) -> (i32, i32) {
    %c0_i32 = arith.constant 0 : i32
    %c0_i32_0 = arith.constant 0 : i32
    %c0_i32_1 = arith.constant 0 : i32
    return %c0_i32, %c0_i32_0 : i32, i32
  }
  func.func @transform_1(%arg0: i32) -> (i32, i32) {
    %c0_i32 = arith.constant 0 : i32
    %c0_i32_0 = arith.constant 0 : i32
    %c0_i32_1 = arith.constant 0 : i32
    return %c0_i32, %c0_i32_0 : i32, i32
  }
  func.func @transform_2(%arg0: i32) -> (i32, i32) {
    %c0_i32 = arith.constant 0 : i32
    %c0_i32_0 = arith.constant 0 : i32
    %c0_i32_1 = arith.constant 0 : i32
    return %c0_i32, %c0_i32_0 : i32, i32
  }
  func.func @transform_3(%arg0: i32) -> (i32, i32) {
    %c0_i32 = arith.constant 0 : i32
    %c0_i32_0 = arith.constant 0 : i32
    %c0_i32_1 = arith.constant 0 : i32
    return %c0_i32, %c0_i32_0 : i32, i32
  }
  func.func @transform_4(%arg0: i32) -> (i32, i32) {
    %c0_i32 = arith.constant 0 : i32
    %c0_i32_0 = arith.constant 0 : i32
    %c0_i32_1 = arith.constant 0 : i32
    return %c0_i32, %c0_i32_0 : i32, i32
  }
  func.func @transform_5(%arg0: i32) -> (i32, i32) {
    %c0_i32 = arith.constant 0 : i32
    %c0_i32_0 = arith.constant 0 : i32
    %c0_i32_1 = arith.constant 0 : i32
    return %c0_i32, %c0_i32_0 : i32, i32
  }
  func.func @transform_6(%arg0: i32) -> (i32, i32) {
    %c0_i32 = arith.constant 0 : i32
    %c0_i32_0 = arith.constant 0 : i32
    return %arg0, %c0_i32 : i32, i32
  }
  func.func @transform_7(%arg0: i32) -> (i32, i32) {
    %c0_i32 = arith.constant 0 : i32
    %c0_i32_0 = arith.constant 0 : i32
    return %c0_i32, %arg0 : i32, i32
  }
  func.func @transform_8(%arg0: i32) -> (i32, i32) {
    %c0_i32 = arith.constant 0 : i32
    %c0_i32_0 = arith.constant 0 : i32
    return %c0_i32, %arg0 : i32, i32
  }
  func.func @transform_9(%arg0: i32) -> (i32, i32) {
    %c0_i32 = arith.constant 0 : i32
    %c0_i32_0 = arith.constant 0 : i32
    return %c0_i32, %arg0 : i32, i32
  }
}

</mosaic_0001>

<sc_bundles>
// kernel: kernel.6.cloned.1.call-start
scs
__scs_entry_jumppad:
0x0: {  	(pc) =	sbr.rel $0x88, $3  }
0x1: {  	(tag) =	ssettag $0x0;
	lr =	simm.s32 $0x1  }
0x2: {  	[smem:$0x3F92] =	sst lr;
	_ =	strace $0xD0000000  }
0x3: {  	_ = 	snop  }
0x4: {  	_ = 	snop  }
0x5: {  	_ = 	snop  }
0x6: {  	_ = 	snop  }
0x7: {  	_ = 	snop  }
__scs_overlays_trampoline_lowered:
0x8: {  	[smem:$0x3FA1] =	sst s0  }
0x9: {  	[smem:$0x3FA2] =	sst s1  }
0xa: {  	[smem:$0x3FA3] =	sst s2  }
0xb: {  	[smem:$0x3FA4] =	sst s3  }
0xc: {  	[smem:$0x3FA5] =	sst s4  }
0xd: {  	[smem:$0x3FA6] =	sst s5  }
0xe: {  	[smem:$0x3FA7] =	sst s6  }
0xf: {  	[smem:$0x3FA8] =	sst s7  }
0x10: {  	[smem:$0x3FA9] =	sst s8  }
0x11: {  	[smem:$0x3FAA] =	sst s9;
	s0 =	simm.s32 @!p0 $0x0  }
0x12: {  	s1 =	sld [smem:$0x3F90];
	s0 =	simm.s32 @p0 $0x1  }
0x13: {  	[smem:$0x3FAB] =	sst s0;
	s0 =	simm.s32 @!p1 $0x0  }
0x14: {  	s2 =	sld [smem:$0x3F8F];
	s0 =	simm.s32 @p1 $0x1  }
0x15: {  	[smem:$0x3FAC] =	sst s0;
	s0 =	simm.s32 @!p2 $0x0  }
0x16: {  	s3 =	sld [smem:$0x3FDB];
	s0 =	simm.s32 @p2 $0x1  }
0x17: {  	s4 =	simm.s32 $0x1BF5;
	[smem:$0x3FAE] =	sst s0  }
0x18: {  	s0 =	sld [smem:$0x3F91];
	_ =	swait.ge [sflag:s4], $0x0  }
0x19: {  	s7 =	sld [smem:$0x3F92]  }
0x1a: {  	s8 =	sadd.s32 $0xFFFFE003, lr  }
0x1b: {  	s9 =	sadd.s32 $0xFFFFFEF7, lr;
	s5 =	simm.s32 $0xFFFFFFFF;
	p2 =	slt.u32 s8, $0xFFFFF086  }
0x1c: {  	p1 =	slt.u32 s9, $0xF7A;
	s5 =	simm.s32 @!p2 $0x0  }
0x1d: {  	s5 =	simm.s32 @p1 $0x1;
	p0 =	seq.s32 s7, s2  }
0x1e: {  	s7 =	smul.u32 @!p0 $0xF7A, s2;
	p2 =	seq.s32 @!p0 s5, $0x0  }
0x1f: {  	s9 =	smul.u32 $0xF7A, s1;
	s8 =	simm.s32 @!p0 $0x1BF5;
	p2 =	por !p2, p0  }
0x20: {  	[sflag:s8] =	ssyncset.s32 @!p0 $0xFFFFF086;
	s6 =	sadd.s32 @!p0 s3, s7;
	s7 =	simm.s32 @!p0 $0x108  }
0x21: {  	s3 =	sadd.s32 s3, s9;
	s6 =	sadd.s32 @!p0 $0x88, s6;
	s7 =	simm.s32 @p2 $0x1082  }
0x22: {  	[simem:s7], [sflag:s8] =	dma.local @!p0 [hbm:s6], $0xF7A  }
0x23: {  	s9 =	sor.u32 $0xD0000000, s2;
	s6 =	simm.s32 $0x108;
	_ =	swait.ge @!p0 [sflag:s8], $0x0  }
0x24: {  	s3 =	sadd.s32 $0x88, s3;
	s6 =	simm.s32 @!p1 $0x1082;
	[sflag:s4] =	ssyncset.s32 $0xFFFFF086  }
0x25: {  	[simem:s6], [sflag:s4] =	dma.local [hbm:s3], $0xF7A  }
0x26: {  	[smem:$0x3F92] =	sst s1;
	(tag) =	ssettag s2;
	_ =	strace s9  }
0x27: {  	s1 =	sld [smem:$0x3FA2]  }
0x28: {  	s2 =	sld [smem:$0x3FA3]  }
0x29: {  	s4 =	sld [smem:$0x3FA5]  }
0x2a: {  	p0 =	seq.s32 s5, $0x0;
	s5 =	sld [smem:$0x3FA6]  }
0x2b: {  	s6 =	sld [smem:$0x3FA7]  }
0x2c: {  	s7 =	sld [smem:$0x3FA8]  }
0x2d: {  	s3 =	simm.s32 $0x108;
	s8 =	sld [smem:$0x3FA9]  }
0x2e: {  	s3 =	simm.s32 @!p0 $0x1082;
	s9 =	sld [smem:$0x3FAA]  }
0x2f: {  	lr =	sadd.s32 s0, s3;
	s0 =	sld [smem:$0x3FA1]  }
0x30: {  	s3 =	sld [smem:$0x3FA4]  }
0x31: {  	[smem:$0x3FAD] =	sst s10  }
0x32: {  	s10 =	sld [smem:$0x3FAB];
	_ =	sdelay $0x3  }
0x33: {  	p0 =	seq.s32 s10, $0x1;
	s10 =	sld [smem:$0x3FAD];
	_ =	sdelay $0x3  }
0x34: {  	[smem:$0x3FAD] =	sst s10  }
0x35: {  	s10 =	sld [smem:$0x3FAC];
	_ =	sdelay $0x3  }
0x36: {  	p1 =	seq.s32 s10, $0x1;
	s10 =	sld [smem:$0x3FAD];
	_ =	sdelay $0x3  }
0x37: {  	[smem:$0x3FAD] =	sst s10  }
0x38: {  	s10 =	sld [smem:$0x3FAE]  }
0x39: {  	_ = 	snop;
	(pc) =	sbr.ind lr, $3  }
0x3a: {  	_ = 	snop  }
0x3b: {  	_ = 	snop  }
0x3c: {  	p2 =	seq.s32 s10, $0x1;
	s10 =	sld [smem:$0x3FAD]  }
0x3d: {  	_ =	shalt  }
0x3e: {  	_ =	shalt  }
0x3f: {  	_ =	shalt  }
0x40: {  	_ =	shalt  }
0x41: {  	_ =	shalt  }
0x42: {  	_ =	shalt  }
0x43: {  	_ =	shalt  }
0x44: {  	_ =	shalt  }
0x45: {  	_ =	shalt  }
0x46: {  	_ =	shalt  }
0x47: {  	_ =	shalt  }
0x48: {  	_ =	shalt  }
0x49: {  	_ =	shalt  }
0x4a: {  	_ =	shalt  }
0x4b: {  	_ =	shalt  }
0x4c: {  	_ =	shalt  }
0x4d: {  	_ =	shalt  }
0x4e: {  	_ =	shalt  }
0x4f: {  	_ =	shalt  }
0x50: {  	_ =	shalt  }
0x51: {  	_ =	shalt  }
0x52: {  	_ =	shalt  }
0x53: {  	_ =	shalt  }
0x54: {  	_ =	shalt  }
0x55: {  	_ =	shalt  }
0x56: {  	_ =	shalt  }
0x57: {  	_ =	shalt  }
0x58: {  	_ =	shalt  }
0x59: {  	_ =	shalt  }
0x5a: {  	_ =	shalt  }
0x5b: {  	_ =	shalt  }
0x5c: {  	_ =	shalt  }
0x5d: {  	_ =	shalt  }
0x5e: {  	_ =	shalt  }
0x5f: {  	_ =	shalt  }
0x60: {  	_ =	shalt  }
0x61: {  	_ =	shalt  }
0x62: {  	_ =	shalt  }
0x63: {  	_ =	shalt  }
0x64: {  	_ =	shalt  }
0x65: {  	_ =	shalt  }
0x66: {  	_ =	shalt  }
0x67: {  	_ =	shalt  }
0x68: {  	_ =	shalt  }
0x69: {  	_ =	shalt  }
0x6a: {  	_ =	shalt  }
0x6b: {  	_ =	shalt  }
0x6c: {  	_ =	shalt  }
0x6d: {  	_ =	shalt  }
0x6e: {  	_ =	shalt  }
0x6f: {  	_ =	shalt  }
0x70: {  	_ =	shalt  }
0x71: {  	_ =	shalt  }
0x72: {  	_ =	shalt  }
0x73: {  	_ =	shalt  }
0x74: {  	_ =	shalt  }
0x75: {  	_ =	shalt  }
0x76: {  	_ =	shalt  }
0x77: {  	_ =	shalt  }
0x78: {  	_ =	shalt  }
0x79: {  	_ =	shalt  }
0x7a: {  	_ =	shalt  }
0x7b: {  	_ =	shalt  }
0x7c: {  	_ =	shalt  }
0x7d: {  	_ =	shalt  }
0x7e: {  	_ =	shalt  }
0x7f: {  	_ =	shalt  }
0x80: {  	_ =	shalt  }
0x81: {  	_ =	shalt  }
0x82: {  	_ =	shalt  }
0x83: {  	_ =	shalt  }
0x84: {  	_ =	shalt  }
0x85: {  	_ =	shalt  }
0x86: {  	_ =	shalt  }
0x87: {  	_ =	shalt  }
.Lfunc_end0:
.L_simem_size_0:
called_computation_lowered:
.L_overlay_start_0:
0x88: {  	s2 =	sld [smem:$0x3FD9]  }
0x89: {  	s3 =	sld [smem:$0x3FFE];
	_ =	sdelay $0x1  }
0x8a: {  	s1 =	srdreg.scid  }
0x8b: {  	s0 =	sand.u32 $0x1, s1  }
0x8c: {  	s15 =	sshll.u32 s0, $0xA;
	s2 =	sadd.s32 s3, s2  }
0x8d: {  	s2 =	sadd.s32 s2, s15  }
0x8e: {  	[smem:$0x3FB9] =	sst s2  }
0x8f: {  	_ = 	snop  }
0x90: {  	s2 =	sld [smem:$0x3FD0];
	_ =	sdelay $0x2  }
0x91: {  	s4 =	simm.s32 $0xA;
	s5 =	simm.s32 $0x10;
	s16 =	sld [smem:$0x3FC6]  }
0x92: {  	[smem:s5], [sflag:s4] =	dma.local [hbm:s2], $0x1  }
0x93: {  	_ =	swait.eq [sflag:s4], $0x1  }
0x94: {  	[sflag:s4] =	ssyncset.done $0x0  }
0x95: {  	s17 =	sld [smem:$0x11];
	[sflag:s4] =	ssyncadd.s32 $0xFFFFFFFF  }
0x96: {  	s18 =	sld [smem:$0x12];
	(tm) =	ssettm $0x1  }
0x97: {  	s19 =	sld [smem:$0x3FFB];
	_ =	sdelay $0x3  }
0x98: {  	_ =	strace s19  }
0x99: {  	s5 =	sld [smem:$0x3FFC];
	_ =	sdelay $0x3  }
0x9a: {  	_ =	strace s5  }
0x9b: {  	s5 =	sld [smem:$0x3FFD];
	_ =	sdelay $0x3  }
0x9c: {  	_ =	strace s5  }
0x9d: {  	_ =	strace $0x8FFFFFFF  }
0x9e: {  	s20 =	sld [smem:$0x3FDB];
	_ =	sdelay $0x1  }
0x9f: {  	s6 =	simm.s32 $_scs_section_size  }
0xa0: {  	s7 =	simm.s32 $_size__tile_overlayer_lowered;
	s8 =	simm.s32 $_tile_overlayer_lowered  }
0xa1: {  	s23 =	simm.s32 $0x1BFF;
	s22 =	sshll.u32 s8, $0x1;
	s5 =	sadd.s32 s6, s20  }
0xa2: {  	s9 =	simm.s32 $0x0;
	s21 =	sshll.u32 s7, $0x1;
	s7 =	sadd.s32 s22, s5  }
0xa3: {  	[timem:s9], [sflag:s23] =	dma.local [hbm:s7], s21  }
0xa4: {  	_ =	swait.ge [sflag:s23], s21  }
0xa5: {  	s6 =	ssub.s32 $0x0, s21;
	[sflag:s23] =	ssyncset.done $0x0  }
0xa6: {  	[sflag:s23] =	ssyncadd.s32 s6;
	_ =	sdelay $0x1  }
0xa7: {  	s24 =	simm.s32 $0x1B8B  }
0xa8: {  	_ =	swait.ge [sflag:s24], $0x1  }
0xa9: {  	[sflag:s24] =	ssyncset.done $0x0  }
0xaa: {  	s25 =	simm.s32 $0x1B8E;
	[sflag:s24] =	ssyncadd.s32 $0xFFFFFFFF  }
0xab: {  	s26 =	simm.s32 $execute0_lowered;
	[smem:$0x3FD2] =	sst s25  }
0xac: {  	s6 =	sshll.u32 s26, $0x1;
	_ =	strace $0x80000046;
	[dreg:$0x1] =	wrdreg $0xFFFFFFFF  }
0xad: {  	s28 =	simm.s32 $_size_execute0_lowered;
	s5 =	sadd.s32 s5, s6;
	[dreg:$0x0] =	wrdreg $0x0  }
0xae: {  	s6 =	sshll.u32 s28, $0x1;
	[dreg:$0x2] =	wrdreg s5  }
0xaf: {  	[dreg:$0x3] =	wrdreg s6  }
0xb0: {  	[dreg:$0x4] =	wrdreg $0xC0  }
0xb1: {  	_ =	task [dreg:s9], $0x5FFFF  }
0xb2: {  	[dreg:$0x1] =	wrdreg $0xFFFFFFFF  }
0xb3: {  	[dreg:$0x0] =	wrdreg $0x60  }
0xb4: {  	[dreg:$0x2] =	wrdreg s16  }
0xb5: {  	[dreg:$0x3] =	wrdreg s18  }
0xb6: {  	[dreg:$0x4] =	wrdreg s17  }
0xb7: {  	[dreg:$0x5] =	wrdreg $0x9  }
0xb8: {  	_ =	task.clear_ibuf [dreg:s9], $0x6FFFF;
	_ =	strace $0x90000046  }
0xb9: {  	s29 =	simm.s32 $0x9;
	_ =	strace $0x80000048  }
0xba: {  	_ =	swait.ge [sflag:s29], $0x1  }
0xbb: {  	[sflag:s29] =	ssyncadd.s32 $0xFFFFFFFF  }
0xbc: {  	_ =	strace $0x90000048  }
0xbd: {  	_ =	sfence  }
0xbe: {  	s30 =	sld [smem:$0x0];
	_ =	sdelay $0x2  }
0xbf: {  	s31 =	sshll.u32 s1, $0xD;
	s1 =	sshrl.u32 s1, $0x2  }
0xc0: {  	s3 =	sand.u32 $0x4000, s31;
	s1 =	sadd.s32 s1, s30  }
0xc1: {  	s0 =	sor.u32 s3, s0;
	s1 =	sshll.u32 s1, $0x11  }
0xc2: {  	s0 =	sor.u32 s1, s0  }
0xc3: {  	s0 =	sadd.s32 $0x8F2B, s0  }
0xc4: {  	[sflag:s0] =	ssyncadd.remote.s32 $0x1  }
0xc5: {  	_ =	sfence.sel $0xFFFF  }
0xc6: {  	[dreg:$0x0] =	wrdreg $0xFFFFFFFF;
	(pc) =	sbr.abs _section_cstart, $3  }
0xc7: {  	[dreg:$0x1] =	wrdreg $0xFFFFFFFF  }
0xc8: {  	_ =	task.clear_ibuf [dreg:s9], $0x2FFFF;
	_ =	strace $0x9FFFFFFF  }
0xc9: {  	(tm) =	ssettm $0x7FFFFFFF  }
tec
execute0_lowered:
.L_overlay_start_1:
0x0: {  	(tag) =	ssettag $0x1  }
0x1: {  	s2 =	rddreg [dreg:$0x0]  }
0x2: {  	s4 =	rddreg [dreg:$0x1]  }
0x3: {  	s1 =	srdreg.scid;
	s0 =	stileid.u32  }
0x4: {  	s23 =	rddreg [dreg:$0x2];
	s24 =	sand.u32 $0x1, s1;
	s5 =	sshll.u32 s0, $0x1  }
0x5: {  	s3 =	simm.s32 $0x0;
	s1 =	rddreg [dreg:$0x3];
	s25 =	sor.u32 s24, s5  }
0x6: {  	[smem:$0x7FF] =	sst s3;
	s5 =	sshll.u32 s25, $0x7  }
0x7: {  	_ =	strace $0x80000047;
	s5 =	sadd.s32 s4, s5;
	s4 =	simm.s32 $0x2  }
0x8: {  	[tilespmem:s3], [sflag:$0x2] =	stream.linear.gather [hbm4b:s5+s3], $0x400, $0x38;
	[tilespmem:$0xA400] =	vst v63  }
0x9: {  	_ =	swait.ge [sflag:s4], $0x400  }
0xa: {  	[sflag:s4] =	ssyncset.done $0x0  }
0xb: {  	s6 =	simm.s32 $0x28;
	s7 =	simm.s32 $0x400;
	[sflag:s4] =	ssyncadd.s32 $0xFFFFFC00  }
0xc: {  	[tilespmem:s7], [sflag:$0x1] =	stream.indirect.gather [hbm4b:s2+s6], $0x80, s3, s6, $0xb8;
	[tilespmem:$0xA400] =	vst v63  }
0xd: {  	s8 =	simm.s32 $0x80;
	s9 =	simm.s32 $0x1800  }
0xe: {  	[tilespmem:s9], [sflag:$0x1] =	stream.indirect.gather [hbm4b:s2+s6], $0x80, s8, s6, $0xb8;
	[tilespmem:$0xA400] =	vst v63  }
0xf: {  	s10 =	simm.s32 $0x100;
	s11 =	simm.s32 $0x2C00  }
0x10: {  	[tilespmem:s11], [sflag:$0x1] =	stream.indirect.gather [hbm4b:s2+s6], $0x80, s10, s6, $0xb8;
	[tilespmem:$0xA400] =	vst v63  }
0x11: {  	s12 =	simm.s32 $0x180;
	s13 =	simm.s32 $0x4000  }
0x12: {  	[tilespmem:s13], [sflag:$0x1] =	stream.indirect.gather [hbm4b:s2+s6], $0x80, s12, s6, $0xb8;
	[tilespmem:$0xA400] =	vst v63  }
0x13: {  	s14 =	simm.s32 $0x200;
	s15 =	simm.s32 $0x5400  }
0x14: {  	[tilespmem:s15], [sflag:$0x1] =	stream.indirect.gather [hbm4b:s2+s6], $0x80, s14, s6, $0xb8;
	[tilespmem:$0xA400] =	vst v63  }
0x15: {  	s16 =	simm.s32 $0x280;
	s17 =	simm.s32 $0x6800  }
0x16: {  	[tilespmem:s17], [sflag:$0x1] =	stream.indirect.gather [hbm4b:s2+s6], $0x80, s16, s6, $0xb8;
	[tilespmem:$0xA400] =	vst v63  }
0x17: {  	s18 =	simm.s32 $0x300;
	s19 =	simm.s32 $0x7C00  }
0x18: {  	[tilespmem:s19], [sflag:$0x1] =	stream.indirect.gather [hbm4b:s2+s6], $0x80, s18, s6, $0xb8;
	[tilespmem:$0xA400] =	vst v63  }
0x19: {  	s20 =	simm.s32 $0x380;
	s21 =	simm.s32 $0x9000;
	s22 =	simm.s32 $0x1  }
0x1a: {  	[tilespmem:s21], [sflag:$0x1] =	stream.indirect.gather [hbm4b:s2+s6], $0x80, s20, s6, $0xb8;
	[tilespmem:$0xA400] =	vst v63  }
0x1b: {  	_ =	swait.ge [sflag:s22], $0x1400  }
0x1c: {  	[sflag:s22] =	ssyncset.done $0x0  }
0x1d: {  	[sflag:s22] =	ssyncadd.s32 $0xFFFFEC00  }
0x1e: {  	_ =	swait.ge [sflag:s22], $0x1400  }
0x1f: {  	[sflag:s22] =	ssyncset.done $0x0  }
0x20: {  	[sflag:s22] =	ssyncadd.s32 $0xFFFFEC00  }
0x21: {  	_ =	swait.ge [sflag:s22], $0x1400  }
0x22: {  	[sflag:s22] =	ssyncset.done $0x0  }
0x23: {  	[sflag:s22] =	ssyncadd.s32 $0xFFFFEC00  }
0x24: {  	_ =	swait.ge [sflag:s22], $0x1400  }
0x25: {  	[sflag:s22] =	ssyncset.done $0x0  }
0x26: {  	[sflag:s22] =	ssyncadd.s32 $0xFFFFEC00  }
0x27: {  	_ =	swait.ge [sflag:s22], $0x1400  }
0x28: {  	[sflag:s22] =	ssyncset.done $0x0  }
0x29: {  	[sflag:s22] =	ssyncadd.s32 $0xFFFFEC00  }
0x2a: {  	_ =	swait.ge [sflag:s22], $0x1400  }
0x2b: {  	[sflag:s22] =	ssyncset.done $0x0  }
0x2c: {  	s24 =	ssub.s32 $0x2, s24;
	[sflag:s22] =	ssyncadd.s32 $0xFFFFEC00  }
0x2d: {  	s26 =	sshrl.u32 s24, $0x1;
	_ =	swait.ge [sflag:s22], $0x1400  }
0x2e: {  	s24 =	ssub.s32 s24, s26;
	[sflag:s22] =	ssyncset.done $0x0  }
0x2f: {  	s24 =	smax.u32 s24, $0x1;
	[sflag:s22] =	ssyncadd.s32 $0xFFFFEC00  }
0x30: {  	s25 =	smul.u32 $0x1400, s25;
	p0 =	sne.s32 s24, $0x1;
	_ =	swait.ge [sflag:s22], $0x1400  }
.Ltmp0:
0x31: {  	[sflag:s22] =	ssyncset.done $0x0;
	(pc) =	sbr.rel @!p0 .LBB2_2-.Ltmp0, $4  }
0x32: {  	s23 =	sadd.s32 s23, s25;
	[sflag:s22] =	ssyncadd.s32 $0xFFFFEC00  }
0x33: {  	[hbm4b:s23+s3] =	stream.linear.scatter [tilespmem:s7], [sflag:$0x2], $0xA000, $0x38;
	[tilespmem:$0xA400] =	vst v63  }
0x34: {  	_ =	swait.ge [sflag:s4], $0xA000  }
0x35: {  	s24 =	sadd.s32 $0xFFFFFFFF, s24;
	[sflag:s4] =	ssyncset.done $0x0  }
.LBB2_1:
0x36: {  	p0 =	sne.s32 s24, $0x1;
	s24 =	sadd.s32 $0xFFFFFFFF, s24;
	[sflag:s4] =	ssyncadd.s32 $0xFFFF6000  }
0x37: {  	[tilespmem:s3], [sflag:$0x2] =	stream.linear.gather [hbm4b:s5+s3], $0x400, $0x38;
	[tilespmem:$0xA400] =	vst v63  }
0x38: {  	_ =	swait.ge [sflag:s4], $0x400  }
0x39: {  	[sflag:s4] =	ssyncset.done $0x0  }
0x3a: {  	[sflag:s4] =	ssyncadd.s32 $0xFFFFFC00  }
0x3b: {  	[tilespmem:s7], [sflag:$0x1] =	stream.indirect.gather [hbm4b:s2+s6], $0x80, s3, s6, $0xb8;
	[tilespmem:$0xA400] =	vst v63  }
0x3c: {  	_ = 	snop  }
0x3d: {  	[tilespmem:s9], [sflag:$0x1] =	stream.indirect.gather [hbm4b:s2+s6], $0x80, s8, s6, $0xb8;
	[tilespmem:$0xA400] =	vst v63  }
0x3e: {  	_ = 	snop  }
0x3f: {  	[tilespmem:s11], [sflag:$0x1] =	stream.indirect.gather [hbm4b:s2+s6], $0x80, s10, s6, $0xb8;
	[tilespmem:$0xA400] =	vst v63  }
0x40: {  	_ = 	snop  }
0x41: {  	[tilespmem:s13], [sflag:$0x1] =	stream.indirect.gather [hbm4b:s2+s6], $0x80, s12, s6, $0xb8;
	[tilespmem:$0xA400] =	vst v63  }
0x42: {  	_ = 	snop  }
0x43: {  	[tilespmem:s15], [sflag:$0x1] =	stream.indirect.gather [hbm4b:s2+s6], $0x80, s14, s6, $0xb8;
	[tilespmem:$0xA400] =	vst v63  }
0x44: {  	_ = 	snop  }
0x45: {  	[tilespmem:s17], [sflag:$0x1] =	stream.indirect.gather [hbm4b:s2+s6], $0x80, s16, s6, $0xb8;
	[tilespmem:$0xA400] =	vst v63  }
0x46: {  	_ = 	snop  }
0x47: {  	[tilespmem:s19], [sflag:$0x1] =	stream.indirect.gather [hbm4b:s2+s6], $0x80, s18, s6, $0xb8;
	[tilespmem:$0xA400] =	vst v63  }
0x48: {  	_ = 	snop  }
0x49: {  	[tilespmem:s21], [sflag:$0x1] =	stream.indirect.gather [hbm4b:s2+s6], $0x80, s20, s6, $0xb8;
	[tilespmem:$0xA400] =	vst v63  }
0x4a: {  	_ =	swait.ge [sflag:s22], $0x1400  }
0x4b: {  	[sflag:s22] =	ssyncset.done $0x0  }
0x4c: {  	[sflag:s22] =	ssyncadd.s32 $0xFFFFEC00  }
0x4d: {  	_ =	swait.ge [sflag:s22], $0x1400  }
0x4e: {  	[sflag:s22] =	ssyncset.done $0x0  }
0x4f: {  	[sflag:s22] =	ssyncadd.s32 $0xFFFFEC00  }
0x50: {  	_ =	swait.ge [sflag:s22], $0x1400  }
0x51: {  	[sflag:s22] =	ssyncset.done $0x0  }
0x52: {  	[sflag:s22] =	ssyncadd.s32 $0xFFFFEC00  }
0x53: {  	_ =	swait.ge [sflag:s22], $0x1400  }
0x54: {  	[sflag:s22] =	ssyncset.done $0x0  }
0x55: {  	[sflag:s22] =	ssyncadd.s32 $0xFFFFEC00  }
0x56: {  	_ =	swait.ge [sflag:s22], $0x1400  }
0x57: {  	[sflag:s22] =	ssyncset.done $0x0  }
0x58: {  	[sflag:s22] =	ssyncadd.s32 $0xFFFFEC00  }
0x59: {  	_ =	swait.ge [sflag:s22], $0x1400  }
0x5a: {  	[sflag:s22] =	ssyncset.done $0x0  }
0x5b: {  	[sflag:s22] =	ssyncadd.s32 $0xFFFFEC00  }
0x5c: {  	_ =	swait.ge [sflag:s22], $0x1400  }
0x5d: {  	[sflag:s22] =	ssyncset.done $0x0  }
0x5e: {  	[sflag:s22] =	ssyncadd.s32 $0xFFFFEC00  }
0x5f: {  	_ =	swait.ge [sflag:s22], $0x1400  }
.Ltmp1:
0x60: {  	[sflag:s22] =	ssyncset.done $0x0;
	(pc) =	sbr.rel @p0 .LBB2_1-.Ltmp1, $4  }
0x61: {  	[sflag:s22] =	ssyncadd.s32 $0xFFFFEC00  }
0x62: {  	[hbm4b:s23+s3] =	stream.linear.scatter [tilespmem:s7], [sflag:$0x2], $0xA000, $0x38;
	[tilespmem:$0xA400] =	vst v63  }
0x63: {  	_ =	swait.ge [sflag:s4], $0xA000  }
0x64: {  	[sflag:s4] =	ssyncset.done $0x0  }
.LBB2_2:
0x65: {  	[sflag:s4] =	ssyncadd.s32 $0xFFFF6000  }
0x66: {  	_ =	sfence.sel $0x180000  }
0x67: {  	[bflag:$0x0] =	sbarrier.arrive $0xFFFF  }
0x68: {  	p0 =	sne.s32 s0, $0x0;
	_ =	strace $0x90000047  }
0x69: {  	s0 =	sadd.s32 @!p0 $0x100000, s1;
	[bflag:$0x2] =	sbarrier.arrive $0xFFFF  }
0x6a: {  	[sflag:s0] =	ssyncadd.tile.s32 @!p0 $0x1;
	_ =	shalt  }
.Lfunc_end2:
_tile_overlayer_lowered:
.L_overlay_start_2:
0x6b: {  	(tag) =	ssettag $0x2  }
0x6c: {  	s0 =	rddreg [dreg:$0x0];
	s2 =	stileid.u32  }
0x6d: {  	s1 =	rddreg [dreg:$0x1];
	p0 =	sne.s32 s2, $0x0  }
0x6e: {  	s3 =	rddreg [dreg:$0x2];
	[bflag:$0x3] =	sbarrier.arrive $0xFFFF;
	s2 =	simm.s32 @!p0 $0x1C02  }
0x6f: {  	[timem:s3], [sflag:s2] =	dma.local @!p0 [hbm:s0], s1  }
0x70: {  	s0 =	simm.s32 @!p0 $0x2  }
0x71: {  	_ =	swait.ge @!p0 [sflag:s0], s1  }
0x72: {  	s1 =	ssub.s32 @!p0 $0x0, s1;
	[sflag:s0] =	ssyncset.done @!p0 $0x0  }
0x73: {  	[sflag:s0] =	ssyncadd.s32 @!p0 s1  }
0x74: {  	[bflag:$0x3] =	sbarrier.arrive $0xFFFF  }
0x75: {  	_ =	shalt  }

// kernel: kernel.9.cloned.1.call-start
scs
__scs_entry_jumppad:
0x0: {  	(pc) =	sbr.rel $0x88, $3  }
0x1: {  	(tag) =	ssettag $0x0;
	lr =	simm.s32 $0x1  }
0x2: {  	[smem:$0x3F92] =	sst lr;
	_ =	strace $0xD0000000  }
0x3: {  	_ = 	snop  }
0x4: {  	_ = 	snop  }
0x5: {  	_ = 	snop  }
0x6: {  	_ = 	snop  }
0x7: {  	_ = 	snop  }
__scs_overlays_trampoline_lowered:
0x8: {  	[smem:$0x3FA1] =	sst s0  }
0x9: {  	[smem:$0x3FA2] =	sst s1  }
0xa: {  	[smem:$0x3FA3] =	sst s2  }
0xb: {  	[smem:$0x3FA4] =	sst s3  }
0xc: {  	[smem:$0x3FA5] =	sst s4  }
0xd: {  	[smem:$0x3FA6] =	sst s5  }
0xe: {  	[smem:$0x3FA7] =	sst s6  }
0xf: {  	[smem:$0x3FA8] =	sst s7  }
0x10: {  	[smem:$0x3FA9] =	sst s8  }
0x11: {  	[smem:$0x3FAA] =	sst s9;
	s0 =	simm.s32 @!p0 $0x0  }
0x12: {  	s1 =	sld [smem:$0x3F90];
	s0 =	simm.s32 @p0 $0x1  }
0x13: {  	[smem:$0x3FAB] =	sst s0;
	s0 =	simm.s32 @!p1 $0x0  }
0x14: {  	s2 =	sld [smem:$0x3F8F];
	s0 =	simm.s32 @p1 $0x1  }
0x15: {  	[smem:$0x3FAC] =	sst s0;
	s0 =	simm.s32 @!p2 $0x0  }
0x16: {  	s3 =	sld [smem:$0x3FDB];
	s0 =	simm.s32 @p2 $0x1  }
0x17: {  	s4 =	simm.s32 $0x1BF5;
	[smem:$0x3FAE] =	sst s0  }
0x18: {  	s0 =	sld [smem:$0x3F91];
	_ =	swait.ge [sflag:s4], $0x0  }
0x19: {  	s7 =	sld [smem:$0x3F92]  }
0x1a: {  	s8 =	sadd.s32 $0xFFFFE003, lr  }
0x1b: {  	s9 =	sadd.s32 $0xFFFFFEF7, lr;
	s5 =	simm.s32 $0xFFFFFFFF;
	p2 =	slt.u32 s8, $0xFFFFF086  }
0x1c: {  	p1 =	slt.u32 s9, $0xF7A;
	s5 =	simm.s32 @!p2 $0x0  }
0x1d: {  	s5 =	simm.s32 @p1 $0x1;
	p0 =	seq.s32 s7, s2  }
0x1e: {  	s7 =	smul.u32 @!p0 $0xF7A, s2;
	p2 =	seq.s32 @!p0 s5, $0x0  }
0x1f: {  	s9 =	smul.u32 $0xF7A, s1;
	s8 =	simm.s32 @!p0 $0x1BF5;
	p2 =	por !p2, p0  }
0x20: {  	[sflag:s8] =	ssyncset.s32 @!p0 $0xFFFFF086;
	s6 =	sadd.s32 @!p0 s3, s7;
	s7 =	simm.s32 @!p0 $0x108  }
0x21: {  	s3 =	sadd.s32 s3, s9;
	s6 =	sadd.s32 @!p0 $0x88, s6;
	s7 =	simm.s32 @p2 $0x1082  }
0x22: {  	[simem:s7], [sflag:s8] =	dma.local @!p0 [hbm:s6], $0xF7A  }
0x23: {  	s9 =	sor.u32 $0xD0000000, s2;
	s6 =	simm.s32 $0x108;
	_ =	swait.ge @!p0 [sflag:s8], $0x0  }
0x24: {  	s3 =	sadd.s32 $0x88, s3;
	s6 =	simm.s32 @!p1 $0x1082;
	[sflag:s4] =	ssyncset.s32 $0xFFFFF086  }
0x25: {  	[simem:s6], [sflag:s4] =	dma.local [hbm:s3], $0xF7A  }
0x26: {  	[smem:$0x3F92] =	sst s1;
	(tag) =	ssettag s2;
	_ =	strace s9  }
0x27: {  	s1 =	sld [smem:$0x3FA2]  }
0x28: {  	s2 =	sld [smem:$0x3FA3]  }
0x29: {  	s4 =	sld [smem:$0x3FA5]  }
0x2a: {  	p0 =	seq.s32 s5, $0x0;
	s5 =	sld [smem:$0x3FA6]  }
0x2b: {  	s6 =	sld [smem:$0x3FA7]  }
0x2c: {  	s7 =	sld [smem:$0x3FA8]  }
0x2d: {  	s3 =	simm.s32 $0x108;
	s8 =	sld [smem:$0x3FA9]  }
0x2e: {  	s3 =	simm.s32 @!p0 $0x1082;
	s9 =	sld [smem:$0x3FAA]  }
0x2f: {  	lr =	sadd.s32 s0, s3;
	s0 =	sld [smem:$0x3FA1]  }
0x30: {  	s3 =	sld [smem:$0x3FA4]  }
0x31: {  	[smem:$0x3FAD] =	sst s10  }
0x32: {  	s10 =	sld [smem:$0x3FAB];
	_ =	sdelay $0x3  }
0x33: {  	p0 =	seq.s32 s10, $0x1;
	s10 =	sld [smem:$0x3FAD];
	_ =	sdelay $0x3  }
0x34: {  	[smem:$0x3FAD] =	sst s10  }
0x35: {  	s10 =	sld [smem:$0x3FAC];
	_ =	sdelay $0x3  }
0x36: {  	p1 =	seq.s32 s10, $0x1;
	s10 =	sld [smem:$0x3FAD];
	_ =	sdelay $0x3  }
0x37: {  	[smem:$0x3FAD] =	sst s10  }
0x38: {  	s10 =	sld [smem:$0x3FAE]  }
0x39: {  	_ = 	snop;
	(pc) =	sbr.ind lr, $3  }
0x3a: {  	_ = 	snop  }
0x3b: {  	_ = 	snop  }
0x3c: {  	p2 =	seq.s32 s10, $0x1;
	s10 =	sld [smem:$0x3FAD]  }
0x3d: {  	_ =	shalt  }
0x3e: {  	_ =	shalt  }
0x3f: {  	_ =	shalt  }
0x40: {  	_ =	shalt  }
0x41: {  	_ =	shalt  }
0x42: {  	_ =	shalt  }
0x43: {  	_ =	shalt  }
0x44: {  	_ =	shalt  }
0x45: {  	_ =	shalt  }
0x46: {  	_ =	shalt  }
0x47: {  	_ =	shalt  }
0x48: {  	_ =	shalt  }
0x49: {  	_ =	shalt  }
0x4a: {  	_ =	shalt  }
0x4b: {  	_ =	shalt  }
0x4c: {  	_ =	shalt  }
0x4d: {  	_ =	shalt  }
0x4e: {  	_ =	shalt  }
0x4f: {  	_ =	shalt  }
0x50: {  	_ =	shalt  }
0x51: {  	_ =	shalt  }
0x52: {  	_ =	shalt  }
0x53: {  	_ =	shalt  }
0x54: {  	_ =	shalt  }
0x55: {  	_ =	shalt  }
0x56: {  	_ =	shalt  }
0x57: {  	_ =	shalt  }
0x58: {  	_ =	shalt  }
0x59: {  	_ =	shalt  }
0x5a: {  	_ =	shalt  }
0x5b: {  	_ =	shalt  }
0x5c: {  	_ =	shalt  }
0x5d: {  	_ =	shalt  }
0x5e: {  	_ =	shalt  }
0x5f: {  	_ =	shalt  }
0x60: {  	_ =	shalt  }
0x61: {  	_ =	shalt  }
0x62: {  	_ =	shalt  }
0x63: {  	_ =	shalt  }
0x64: {  	_ =	shalt  }
0x65: {  	_ =	shalt  }
0x66: {  	_ =	shalt  }
0x67: {  	_ =	shalt  }
0x68: {  	_ =	shalt  }
0x69: {  	_ =	shalt  }
0x6a: {  	_ =	shalt  }
0x6b: {  	_ =	shalt  }
0x6c: {  	_ =	shalt  }
0x6d: {  	_ =	shalt  }
0x6e: {  	_ =	shalt  }
0x6f: {  	_ =	shalt  }
0x70: {  	_ =	shalt  }
0x71: {  	_ =	shalt  }
0x72: {  	_ =	shalt  }
0x73: {  	_ =	shalt  }
0x74: {  	_ =	shalt  }
0x75: {  	_ =	shalt  }
0x76: {  	_ =	shalt  }
0x77: {  	_ =	shalt  }
0x78: {  	_ =	shalt  }
0x79: {  	_ =	shalt  }
0x7a: {  	_ =	shalt  }
0x7b: {  	_ =	shalt  }
0x7c: {  	_ =	shalt  }
0x7d: {  	_ =	shalt  }
0x7e: {  	_ =	shalt  }
0x7f: {  	_ =	shalt  }
0x80: {  	_ =	shalt  }
0x81: {  	_ =	shalt  }
0x82: {  	_ =	shalt  }
0x83: {  	_ =	shalt  }
0x84: {  	_ =	shalt  }
0x85: {  	_ =	shalt  }
0x86: {  	_ =	shalt  }
0x87: {  	_ =	shalt  }
.Lfunc_end0:
.L_simem_size_0:
called_computation.1_lowered:
.L_overlay_start_0:
0x88: {  	s2 =	sld [smem:$0x3FD9]  }
0x89: {  	s3 =	sld [smem:$0x3FFE];
	_ =	sdelay $0x1  }
0x8a: {  	s1 =	srdreg.scid  }
0x8b: {  	s0 =	sand.u32 $0x1, s1  }
0x8c: {  	s14 =	sshll.u32 s0, $0xA;
	s2 =	sadd.s32 s3, s2  }
0x8d: {  	s2 =	sadd.s32 s2, s14  }
0x8e: {  	[smem:$0x3FB9] =	sst s2  }
0x8f: {  	_ = 	snop  }
0x90: {  	s2 =	sld [smem:$0x3FD0];
	_ =	sdelay $0x2  }
0x91: {  	s15 =	simm.s32 $0xA;
	s4 =	simm.s32 $0x10  }
0x92: {  	[smem:s4], [sflag:s15] =	dma.local [hbm:s2], $0x1  }
0x93: {  	_ =	swait.eq [sflag:s15], $0x1  }
0x94: {  	s16 =	sld [smem:$0x10];
	[sflag:s15] =	ssyncset.done $0x0  }
0x95: {  	s17 =	sld [smem:$0x11];
	[sflag:s15] =	ssyncadd.s32 $0xFFFFFFFF  }
0x96: {  	s18 =	sld [smem:$0x12];
	(tm) =	ssettm $0x1  }
0x97: {  	s5 =	sld [smem:$0x3FFB];
	_ =	sdelay $0x3  }
0x98: {  	_ =	strace s5  }
0x99: {  	s5 =	sld [smem:$0x3FFC];
	_ =	sdelay $0x3  }
0x9a: {  	_ =	strace s5  }
0x9b: {  	s5 =	sld [smem:$0x3FFD];
	_ =	sdelay $0x3  }
0x9c: {  	_ =	strace s5  }
0x9d: {  	_ =	strace $0x8FFFFFFF  }
0x9e: {  	s19 =	sld [smem:$0x3FDB];
	_ =	sdelay $0x1  }
0x9f: {  	s6 =	simm.s32 $_scs_section_size  }
0xa0: {  	s7 =	simm.s32 $_size__tile_overlayer_lowered;
	s8 =	simm.s32 $_tile_overlayer_lowered  }
0xa1: {  	s22 =	simm.s32 $0x1BFF;
	s21 =	sshll.u32 s8, $0x1;
	s5 =	sadd.s32 s6, s19  }
0xa2: {  	s9 =	simm.s32 $0x0;
	s20 =	sshll.u32 s7, $0x1;
	s7 =	sadd.s32 s21, s5  }
0xa3: {  	[timem:s9], [sflag:s22] =	dma.local [hbm:s7], s20  }
0xa4: {  	_ =	swait.ge [sflag:s22], s20  }
0xa5: {  	s6 =	ssub.s32 $0x0, s20;
	[sflag:s22] =	ssyncset.done $0x0  }
0xa6: {  	[sflag:s22] =	ssyncadd.s32 s6;
	_ =	sdelay $0x1  }
0xa7: {  	s23 =	simm.s32 $0x1B8B  }
0xa8: {  	_ =	swait.ge [sflag:s23], $0x1  }
0xa9: {  	[sflag:s23] =	ssyncset.done $0x0  }
0xaa: {  	s25 =	simm.s32 $0x1B8E;
	s24 =	sld [smem:$0x3FFE];
	[sflag:s23] =	ssyncadd.s32 $0xFFFFFFFF  }
0xab: {  	s26 =	simm.s32 $execute0_lowered;
	[smem:$0x3FD2] =	sst s25  }
0xac: {  	s7 =	sshll.u32 s26, $0x1;
	_ =	strace $0x80000049;
	[dreg:$0x1] =	wrdreg $0xFFFFFFFF  }
0xad: {  	s28 =	simm.s32 $_size_execute0_lowered;
	s5 =	sadd.s32 s5, s7;
	[dreg:$0x0] =	wrdreg $0x0  }
0xae: {  	s7 =	sshll.u32 s28, $0x1;
	[dreg:$0x2] =	wrdreg s5  }
0xaf: {  	[dreg:$0x3] =	wrdreg s7  }
0xb0: {  	[dreg:$0x4] =	wrdreg $0xC0  }
0xb1: {  	_ =	task [dreg:s9], $0x5FFFF  }
0xb2: {  	[dreg:$0x1] =	wrdreg $0xFFFFFFFF  }
0xb3: {  	[dreg:$0x0] =	wrdreg $0x60  }
0xb4: {  	[dreg:$0x2] =	wrdreg s17  }
0xb5: {  	[dreg:$0x3] =	wrdreg s24  }
0xb6: {  	[dreg:$0x4] =	wrdreg s16  }
0xb7: {  	[dreg:$0x5] =	wrdreg s18  }
0xb8: {  	[dreg:$0x6] =	wrdreg $0x83000  }
0xb9: {  	[dreg:$0x7] =	wrdreg $0x9  }
0xba: {  	_ =	task.clear_ibuf [dreg:s9], $0x8FFFF;
	_ =	strace $0x90000049  }
0xbb: {  	s29 =	simm.s32 $0x9;
	_ =	strace $0x8000004B  }
0xbc: {  	_ =	swait.ge [sflag:s29], $0x1  }
0xbd: {  	[sflag:s29] =	ssyncadd.s32 $0xFFFFFFFF  }
0xbe: {  	_ =	strace $0x9000004B  }
0xbf: {  	_ =	sfence  }
0xc0: {  	s30 =	sld [smem:$0x0];
	_ =	sdelay $0x2  }
0xc1: {  	s31 =	sshll.u32 s1, $0xD;
	s1 =	sshrl.u32 s1, $0x2  }
0xc2: {  	s3 =	sand.u32 $0x4000, s31;
	s1 =	sadd.s32 s1, s30  }
0xc3: {  	s0 =	sor.u32 s3, s0;
	s1 =	sshll.u32 s1, $0x11  }
0xc4: {  	s0 =	sor.u32 s1, s0  }
0xc5: {  	s0 =	sadd.s32 $0x8F2B, s0  }
0xc6: {  	[sflag:s0] =	ssyncadd.remote.s32 $0x1  }
0xc7: {  	_ =	sfence.sel $0xFFFF  }
0xc8: {  	[dreg:$0x0] =	wrdreg $0xFFFFFFFF;
	(pc) =	sbr.abs _section_cstart, $3  }
0xc9: {  	[dreg:$0x1] =	wrdreg $0xFFFFFFFF  }
0xca: {  	_ =	task.clear_ibuf [dreg:s9], $0x2FFFF;
	_ =	strace $0x9FFFFFFF  }
0xcb: {  	(tm) =	ssettm $0x7FFFFFFF  }
tec
execute0_lowered:
.L_overlay_start_1:
0x0: {  	(tag) =	ssettag $0x1  }
0x1: {  	s1 =	rddreg [dreg:$0x0]  }
0x2: {  	s0 =	rddreg [dreg:$0x1]  }
0x3: {  	s2 =	rddreg [dreg:$0x2]  }
0x4: {  	s5 =	rddreg [dreg:$0x3]  }
0x5: {  	s3 =	rddreg [dreg:$0x4];
	s4 =	simm.s32 $0x0  }
0x6: {  	s7 =	srdreg.scid;
	s15 =	stileid.u32;
	s28 =	simm.s32 $0x300  }
0x7: {  	s29 =	simm.s32 $0x180;
	s30 =	simm.s32 $0x4300;
	s31 =	simm.s32 $0x1  }
0x8: {  	[smem:$0x7FF] =	sst s4;
	s6 =	sadd.s32 $0x1800, s0;
	s7 =	sand.u32 $0x1, s7  }
0x9: {  	s8 =	sadd.s32 $0xB600, s0;
	s10 =	sshll.u32 s15, $0x1;
	s11 =	smul.u32 $0x4E000, s15  }
0xa: {  	s26 =	smul.u32 $0x2700, s15;
	s12 =	sshll.u32 s15, $0x6;
	s14 =	sadd.s32 $0x138000, s3  }
0xb: {  	s0 =	sadd.s32 $0xDD00, s0;
	s20 =	smul.u32 $0x4E20, s15;
	p0 =	sne.s32 s15, $0xF  }
0xc: {  	_ =	strace $0x8000004A;
	[dreg:$0x6] =	wrdreg s8;
	s17 =	smul.u32 $0x27100, s7  }
0xd: {  	s24 =	ssub.s32 $0x2, s7;
	[dreg:$0x8] =	wrdreg s14;
	s22 =	smul.u32 $0x2710, s7  }
0xe: {  	s25 =	sor.u32 s7, s10;
	[dreg:$0x9] =	wrdreg s0;
	s7 =	smul.u32 $0x138800, s7  }
0xf: {  	s9 =	sshrl.u32 s24, $0x1;
	s11 =	sshrl.u32 s11, $0x2;
	s13 =	smul.u32 $0x2710, s25  }
0x10: {  	s8 =	ssub.s32 s24, s9;
	s11 =	sadd.s32 s11, s3;
	s9 =	sor.u32 $0x1C03, s12  }
0x11: {  	s24 =	sadd.s32 s22, s20;
	s10 =	sadd.s32 s26, s17;
	s7 =	sshrl.u32 s7, $0x3  }
0x12: {  	[dreg:$0x7] =	wrdreg s11;
	s16 =	sshrl.u32 s13, $0x3;
	s25 =	sadd.s32 $0x180, s24  }
0x13: {  	s20 =	smax.u32 s8, $0x1;
	s8 =	simm.s32 $0x10;
	s18 =	sadd.s32 s6, s16  }
0x14: {  	s19 =	sadd.s32 $0x10, s16;
	s14 =	sadd.s32 s2, s16;
	s0 =	sadd.s32 $0x4E0, s16  }
0x15: {  	s26 =	sshrl.u32 s25, $0x3;
	s25 =	simm.s32 $0x100;
	[dreg:$0xa] =	wrdreg s18  }
0x16: {  	[dreg:$0xb] =	wrdreg s14;
	s21 =	sadd.s32 s6, s19;
	s12 =	sadd.s32 s2, s19  }
0x17: {  	s23 =	sadd.s32 s6, s0;
	s0 =	sadd.s32 s2, s0;
	[dreg:$0xc] =	wrdreg s21  }
0x18: {  	s18 =	sadd.s32 s5, s10;
	s5 =	sadd.s32 s5, s7;
	[dreg:$0xd] =	wrdreg s12  }
0x19: {  	s22 =	sadd.s32 s26, s6;
	s7 =	simm.s32 $0x280;
	[dreg:$0xe] =	wrdreg s23  }
0x1a: {  	s10 =	simm.s32 $0x0;
	[dreg:$0xf] =	wrdreg s0;
	s19 =	sadd.s32 $0x27000, s5  }
0x1b: {  	s21 =	sadd.s32 s26, s2;
	s23 =	sadd.s32 $0x100, s24;
	s24 =	simm.s32 $0x3  }
0x1c: {  	s26 =	simm.s32 $0x80;
	s0 =	simm.s32 $0x2;
	s5 =	simm.s32 $0x200  }
.LBB2_1:
0x1d: {  	s11 =	rddreg [dreg:$0x7]  }
0x1e: {  	s12 =	rddreg [dreg:$0x6];
	s11 =	sshrl.u32 s11, $0x3  }
0x1f: {  	[spmem:s11], [sflag:s9] =	dma.local [hbm:s12], $0x2700  }
0x20: {  	_ =	swait.ge [sflag:s24], $0x2700  }
0x21: {  	[sflag:s24] =	ssyncset.done $0x0;
	s12 =	rddreg [dreg:$0x8]  }
0x22: {  	s13 =	rddreg [dreg:$0x9];
	[sflag:s24] =	ssyncadd.s32 $0xFFFFD900;
	s12 =	sshrl.u32 @!p0 s12, $0x3  }
0x23: {  	[spmem:s12], [sflag:s9] =	dma.local @!p0 [hbm:s13], $0x100  }
0x24: {  	s13 =	simm.s32 @!p0 $0x3  }
0x25: {  	_ =	swait.ge @!p0 [sflag:s13], $0x100  }
0x26: {  	[sflag:s13] =	ssyncset.done @!p0 $0x0  }
0x27: {  	[sflag:s13] =	ssyncadd.s32 @!p0 $0xFFFFFF00  }
0x28: {  	[bflag:$0x0] =	sbarrier.arrive $0xFFFF  }
0x29: {  	s15 =	rddreg [dreg:$0xa]  }
0x2a: {  	[tilespmem:s4], [sflag:$0x3] =	stream.linear.gather [hbm4b:s15+s4], $0x80, $0x38;
	[tilespmem:$0x1BB80] =	vst v63  }
0x2b: {  	_ =	swait.ge [sflag:s24], $0x80  }
0x2c: {  	[sflag:s24] =	ssyncset.done $0x0  }
0x2d: {  	s16 =	rddreg [dreg:$0xb];
	[sflag:s24] =	ssyncadd.s32 $0xFFFFFF80  }
0x2e: {  	[tilespmem:s25], [sflag:$0x3] =	stream.linear.gather [hbm4b:s16+s4], $0x80, $0x38;
	[tilespmem:$0x1BB80] =	vst v63  }
0x2f: {  	_ =	swait.ge [sflag:s24], $0x80  }
0x30: {  	[sflag:s24] =	ssyncset.done $0x0  }
0x31: {  	[sflag:s24] =	ssyncadd.s32 $0xFFFFFF80  }
0x32: {  	[tilespmem:s28], [sflag:$0x1] =	stream.indirect.gather [hbm4b:s1+s26], $0x80, s4, s26, $0xb8;
	[tilespmem:$0x1BB80] =	vst v63  }
0x33: {  	s17 =	rddreg [dreg:$0xc]  }
0x34: {  	[tilespmem:s26], [sflag:$0x3] =	stream.linear.gather [hbm4b:s17+s4], $0x80, $0x38;
	[tilespmem:$0x1BB80] =	vst v63  }
0x35: {  	_ =	swait.ge [sflag:s24], $0x80  }
0x36: {  	[sflag:s24] =	ssyncset.done $0x0  }
0x37: {  	s14 =	rddreg [dreg:$0xd];
	[sflag:s24] =	ssyncadd.s32 $0xFFFFFF80  }
0x38: {  	[tilespmem:s29], [sflag:$0x3] =	stream.linear.gather [hbm4b:s14+s4], $0x80, $0x38;
	[tilespmem:$0x1BB80] =	vst v63  }
0x39: {  	_ =	swait.ge [sflag:s24], $0x80  }
0x3a: {  	[sflag:s24] =	ssyncset.done $0x0  }
0x3b: {  	[sflag:s24] =	ssyncadd.s32 $0xFFFFFF80  }
0x3c: {  	[tilespmem:s30], [sflag:$0x2] =	stream.indirect.gather [hbm4b:s1+s26], $0x80, s26, s26, $0xb8;
	[tilespmem:$0x1BB80] =	vst v63  }
0x3d: {  	_ =	swait.ge [sflag:s31], $0x4000  }
0x3e: {  	[sflag:s31] =	ssyncset.done $0x0  }
0x3f: {  	[sflag:s31] =	ssyncadd.s32 $0xFFFFC000  }
0x40: {  	[spmem:s3] =	stream.indirect.scatter.add.f32 [tilespmem:s28], [sflag:$0x3], $0x80, s25, s26, $0xb8;
	[tilespmem:$0x1BB80] =	vst v63  }
0x41: {  	_ =	swait.ge [sflag:s24], $0x4000  }
0x42: {  	s15 =	sshrl.u32 s23, $0x3;
	[sflag:s24] =	ssyncset.done $0x0  }
0x43: {  	s14 =	sadd.s32 s6, s15;
	[sflag:s24] =	ssyncadd.s32 $0xFFFFC000  }
0x44: {  	[tilespmem:s4], [sflag:$0x3] =	stream.linear.gather [hbm4b:s14+s4], $0x80, $0x38;
	[tilespmem:$0x1BB80] =	vst v63  }
0x45: {  	_ =	swait.ge [sflag:s24], $0x80  }
0x46: {  	[sflag:s24] =	ssyncset.done $0x0  }
0x47: {  	s13 =	sadd.s32 s2, s15;
	[sflag:s24] =	ssyncadd.s32 $0xFFFFFF80  }
0x48: {  	[tilespmem:s25], [sflag:$0x3] =	stream.linear.gather [hbm4b:s13+s4], $0x80, $0x38;
	[tilespmem:$0x1BB80] =	vst v63  }
0x49: {  	_ =	swait.ge [sflag:s24], $0x80  }
0x4a: {  	[sflag:s24] =	ssyncset.done $0x0  }
0x4b: {  	[sflag:s24] =	ssyncadd.s32 $0xFFFFFF80  }
0x4c: {  	[tilespmem:s28], [sflag:$0x1] =	stream.indirect.gather [hbm4b:s1+s26], $0x80, s4, s26, $0xb8;
	[tilespmem:$0x1BB80] =	vst v63  }
0x4d: {  	_ =	swait.ge [sflag:s0], $0x4000  }
0x4e: {  	[sflag:s0] =	ssyncset.done $0x0  }
0x4f: {  	[sflag:s0] =	ssyncadd.s32 $0xFFFFC000  }
0x50: {  	[spmem:s3] =	stream.indirect.scatter.add.f32 [tilespmem:s30], [sflag:$0x3], $0x80, s29, s26, $0xb8;
	[tilespmem:$0x1BB80] =	vst v63  }
0x51: {  	_ =	swait.ge [sflag:s24], $0x4000  }
0x52: {  	[sflag:s24] =	ssyncset.done $0x0  }
0x53: {  	s16 =	sadd.s32 $0x0, s22;
	[sflag:s24] =	ssyncadd.s32 $0xFFFFC000  }
0x54: {  	[tilespmem:s26], [sflag:$0x3] =	stream.linear.gather [hbm4b:s16+s4], $0x80, $0x38;
	[tilespmem:$0x1BB80] =	vst v63  }
0x55: {  	_ =	swait.ge [sflag:s24], $0x80  }
0x56: {  	[sflag:s24] =	ssyncset.done $0x0  }
0x57: {  	s17 =	sadd.s32 $0x0, s21;
	[sflag:s24] =	ssyncadd.s32 $0xFFFFFF80  }
0x58: {  	[tilespmem:s29], [sflag:$0x3] =	stream.linear.gather [hbm4b:s17+s4], $0x80, $0x38;
	[tilespmem:$0x1BB80] =	vst v63  }
0x59: {  	_ =	swait.ge [sflag:s24], $0x80  }
0x5a: {  	[sflag:s24] =	ssyncset.done $0x0  }
0x5b: {  	s14 =	sadd.s32 $0x100, s23;
	s13 =	simm.s32 $0x20;
	[sflag:s24] =	ssyncadd.s32 $0xFFFFFF80  }
.LBB2_2:
0x5c: {  	[tilespmem:s30], [sflag:$0x2] =	stream.indirect.gather [hbm4b:s1+s26], $0x80, s26, s26, $0xb8;
	[tilespmem:$0x1BB80] =	vst v63  }
0x5d: {  	s15 =	smov.u32 s13  }
0x5e: {  	p1 =	sne.s32 s13, $0x4A0;
	s13 =	sadd.s32 $0x20, s13;
	_ =	swait.ge [sflag:s31], $0x4000  }
0x5f: {  	[sflag:s31] =	ssyncset.done $0x0  }
0x60: {  	[sflag:s31] =	ssyncadd.s32 $0xFFFFC000  }
0x61: {  	[spmem:s3] =	stream.indirect.scatter.add.f32 [tilespmem:s28], [sflag:$0x3], $0x80, s25, s26, $0xb8;
	[tilespmem:$0x1BB80] =	vst v63  }
0x62: {  	_ =	swait.ge [sflag:s24], $0x4000  }
0x63: {  	s16 =	sshrl.u32 s14, $0x3;
	[sflag:s24] =	ssyncset.done $0x0  }
0x64: {  	s17 =	sadd.s32 s6, s16;
	[sflag:s24] =	ssyncadd.s32 $0xFFFFC000  }
0x65: {  	[tilespmem:s4], [sflag:$0x3] =	stream.linear.gather [hbm4b:s17+s4], $0x80, $0x38;
	[tilespmem:$0x1BB80] =	vst v63  }
0x66: {  	_ =	swait.ge [sflag:s24], $0x80  }
0x67: {  	[sflag:s24] =	ssyncset.done $0x0  }
0x68: {  	s16 =	sadd.s32 s2, s16;
	[sflag:s24] =	ssyncadd.s32 $0xFFFFFF80  }
0x69: {  	[tilespmem:s25], [sflag:$0x3] =	stream.linear.gather [hbm4b:s16+s4], $0x80, $0x38;
	[tilespmem:$0x1BB80] =	vst v63  }
0x6a: {  	_ =	swait.ge [sflag:s24], $0x80  }
0x6b: {  	[sflag:s24] =	ssyncset.done $0x0  }
0x6c: {  	[sflag:s24] =	ssyncadd.s32 $0xFFFFFF80  }
0x6d: {  	[tilespmem:s28], [sflag:$0x1] =	stream.indirect.gather [hbm4b:s1+s26], $0x80, s4, s26, $0xb8;
	[tilespmem:$0x1BB80] =	vst v63  }
0x6e: {  	_ =	swait.ge [sflag:s0], $0x4000  }
0x6f: {  	[sflag:s0] =	ssyncset.done $0x0  }
0x70: {  	[sflag:s0] =	ssyncadd.s32 $0xFFFFC000  }
0x71: {  	[spmem:s3] =	stream.indirect.scatter.add.f32 [tilespmem:s30], [sflag:$0x3], $0x80, s29, s26, $0xb8;
	[tilespmem:$0x1BB80] =	vst v63  }
0x72: {  	_ =	swait.ge [sflag:s24], $0x4000  }
0x73: {  	[sflag:s24] =	ssyncset.done $0x0  }
0x74: {  	s16 =	sadd.s32 s15, s22;
	[sflag:s24] =	ssyncadd.s32 $0xFFFFC000  }
0x75: {  	[tilespmem:s26], [sflag:$0x3] =	stream.linear.gather [hbm4b:s16+s4], $0x80, $0x38;
	[tilespmem:$0x1BB80] =	vst v63  }
0x76: {  	_ =	swait.ge [sflag:s24], $0x80  }
0x77: {  	[sflag:s24] =	ssyncset.done $0x0  }
.Ltmp0:
0x78: {  	s15 =	sadd.s32 s15, s21;
	[sflag:s24] =	ssyncadd.s32 $0xFFFFFF80;
	(pc) =	sbr.rel @p1 .LBB2_2-.Ltmp0, $4  }
0x79: {  	[tilespmem:s29], [sflag:$0x3] =	stream.linear.gather [hbm4b:s15+s4], $0x80, $0x38;
	[tilespmem:$0x1BB80] =	vst v63  }
0x7a: {  	_ =	swait.ge [sflag:s24], $0x80  }
0x7b: {  	[sflag:s24] =	ssyncset.done $0x0  }
0x7c: {  	s14 =	sadd.s32 $0x100, s14;
	[sflag:s24] =	ssyncadd.s32 $0xFFFFFF80  }
0x7d: {  	[tilespmem:s30], [sflag:$0x2] =	stream.indirect.gather [hbm4b:s1+s26], $0x80, s26, s26, $0xb8;
	[tilespmem:$0x1BB80] =	vst v63  }
0x7e: {  	_ =	swait.ge [sflag:s31], $0x4000  }
0x7f: {  	[sflag:s31] =	ssyncset.done $0x0  }
0x80: {  	[sflag:s31] =	ssyncadd.s32 $0xFFFFC000  }
0x81: {  	[spmem:s3] =	stream.indirect.scatter.add.f32 [tilespmem:s28], [sflag:$0x3], $0x80, s25, s26, $0xb8;
	[tilespmem:$0x1BB80] =	vst v63  }
0x82: {  	_ =	swait.ge [sflag:s24], $0x4000  }
0x83: {  	[sflag:s24] =	ssyncset.done $0x0  }
0x84: {  	[sflag:s24] =	ssyncadd.s32 $0xFFFFC000  }
0x85: {  	_ =	swait.ge [sflag:s0], $0x4000  }
0x86: {  	[sflag:s0] =	ssyncset.done $0x0  }
0x87: {  	[sflag:s0] =	ssyncadd.s32 $0xFFFFC000  }
0x88: {  	[spmem:s3] =	stream.indirect.scatter.add.f32 [tilespmem:s30], [sflag:$0x3], $0x80, s29, s26, $0xb8;
	[tilespmem:$0x1BB80] =	vst v63  }
0x89: {  	_ =	swait.ge [sflag:s24], $0x4000  }
0x8a: {  	[sflag:s24] =	ssyncset.done $0x0  }
0x8b: {  	s13 =	rddreg [dreg:$0xe];
	[sflag:s24] =	ssyncadd.s32 $0xFFFFC000  }
0x8c: {  	[tilespmem:s5], [sflag:$0x3] =	stream.linear.gather [hbm4b:s13+s4], $0x10, $0x38;
	[tilespmem:$0x1BB80] =	vst v63  }
0x8d: {  	_ =	swait.ge [sflag:s24], $0x10  }
0x8e: {  	[sflag:s24] =	ssyncset.done $0x0  }
0x8f: {  	s17 =	rddreg [dreg:$0xf];
	[sflag:s24] =	ssyncadd.s32 $0xFFFFFFF0  }
0x90: {  	[tilespmem:s7], [sflag:$0x3] =	stream.linear.gather [hbm4b:s17+s4], $0x10, $0x38;
	[tilespmem:$0x1BB80] =	vst v63  }
0x91: {  	_ =	swait.ge [sflag:s24], $0x10  }
0x92: {  	[sflag:s24] =	ssyncset.done $0x0  }
0x93: {  	[sflag:s24] =	ssyncadd.s32 $0xFFFFFFF0  }
0x94: {  	[tilespmem:s28], [sflag:$0x1] =	stream.indirect.gather [hbm4b:s1+s8], $0x80, s5, s8, $0xb8;
	[tilespmem:$0x1BB80] =	vst v63  }
0x95: {  	_ =	swait.ge [sflag:s31], $0x800  }
0x96: {  	[sflag:s31] =	ssyncset.done $0x0  }
0x97: {  	[sflag:s31] =	ssyncadd.s32 $0xFFFFF800  }
0x98: {  	[spmem:s3] =	stream.indirect.scatter.add.f32 [tilespmem:s28], [sflag:$0x3], $0x80, s7, s8, $0xb8;
	[tilespmem:$0x1BB80] =	vst v63  }
0x99: {  	_ =	swait.ge [sflag:s24], $0x800  }
0x9a: {  	[sflag:s24] =	ssyncset.done $0x0  }
0x9b: {  	[sflag:s24] =	ssyncadd.s32 $0xFFFFF800  }
0x9c: {  	[bflag:$0x0] =	sbarrier.arrive $0xFFFF  }
0x9d: {  	[hbm:s18], [sflag:s9] =	dma.local [spmem:s11], $0x2700  }
0x9e: {  	s10 =	sadd.s32 $0x1, s10;
	_ =	swait.ge [sflag:s24], $0x2700  }
0x9f: {  	p1 =	sne.s32 s10, s20;
	[sflag:s24] =	ssyncset.done $0x0  }
.Ltmp1:
0xa0: {  	s11 =	simm.s32 @!p0 $0x3;
	[sflag:s24] =	ssyncadd.s32 $0xFFFFD900;
	(pc) =	sbr.rel @p1 .LBB2_1-.Ltmp1, $4  }
0xa1: {  	[hbm:s19], [sflag:s9] =	dma.local @!p0 [spmem:s12], $0x100  }
0xa2: {  	_ =	swait.ge @!p0 [sflag:s11], $0x100  }
0xa3: {  	[sflag:s11] =	ssyncset.done @!p0 $0x0  }
0xa4: {  	[sflag:s11] =	ssyncadd.s32 @!p0 $0xFFFFFF00  }
0xa5: {  	_ =	sfence.sel $0x180000  }
0xa6: {  	[bflag:$0x0] =	sbarrier.arrive $0xFFFF  }
0xa7: {  	_ =	strace $0x9000004A  }
0xa8: {  	s0 =	stileid.u32;
	[bflag:$0x2] =	sbarrier.arrive $0xFFFF  }
0xa9: {  	p0 =	sne.s32 s0, $0x0;
	s0 =	rddreg [dreg:$0x5]  }
0xaa: {  	s0 =	sadd.s32 @!p0 $0x100000, s0  }
0xab: {  	[sflag:s0] =	ssyncadd.tile.s32 @!p0 $0x1;
	_ =	shalt  }
.Lfunc_end2:
_tile_overlayer_lowered:
.L_overlay_start_2:
0xac: {  	(tag) =	ssettag $0x2  }
0xad: {  	s0 =	rddreg [dreg:$0x0];
	s2 =	stileid.u32  }
0xae: {  	s1 =	rddreg [dreg:$0x1];
	p0 =	sne.s32 s2, $0x0  }
0xaf: {  	s3 =	rddreg [dreg:$0x2];
	[bflag:$0x3] =	sbarrier.arrive $0xFFFF;
	s2 =	simm.s32 @!p0 $0x1C03  }
0xb0: {  	[timem:s3], [sflag:s2] =	dma.local @!p0 [hbm:s0], s1  }
0xb1: {  	s0 =	simm.s32 @!p0 $0x3  }
0xb2: {  	_ =	swait.ge @!p0 [sflag:s0], s1  }
0xb3: {  	s1 =	ssub.s32 @!p0 $0x0, s1;
	[sflag:s0] =	ssyncset.done @!p0 $0x0  }
0xb4: {  	[sflag:s0] =	ssyncadd.s32 @!p0 s1  }
0xb5: {  	[bflag:$0x3] =	sbarrier.arrive $0xFFFF  }
0xb6: {  	_ =	shalt  }

</sc_bundles>
